<compile_context>
chip_gen: v7x
topology: tpu7x:2x2x1
jax: 0.10.2.dev20260603
libtpu: 0.0.44.dev20260713+nightly
codegen_flags: <defaults>
</compile_context>

<pallas_src>
import functools

import jax
import jax.numpy as jnp
from jax import lax
from jax.experimental import pallas as pl
from jax.experimental.pallas import tpu as pltpu
from jax.experimental.pallas import tpu_sc as plsc

_N = 10000
_E = 320000
_D = 128

_NC = 2
_NS = 16
_NW = _NC * _NS
_EPW = _E // _NW
_LANES = 16


_NCH = _E // 128
_T = -(-_NCH // _NW)


def _sc_counts(edge_index_i32):
    mesh = plsc.VectorSubcoreMesh(core_axis_name="c", subcore_axis_name="s")

    @functools.partial(
        pl.kernel,
        mesh=mesh,
        out_type=jax.ShapeDtypeStruct((_NW, _N), jnp.float32),
        scratch_types=[
            pltpu.VMEM((2, _T * 128), jnp.int32),
            pltpu.VMEM((_N,), jnp.float32),
            pltpu.SemaphoreType.DMA,
        ],
        compiler_params=pltpu.CompilerParams(needs_layout_passes=False),
    )
    def k(col_hbm, out_hbm, idx_v, cnt_v, sem):
        wid = lax.axis_index("s") * _NC + lax.axis_index("c")
        owned0 = wid * _T
        base_ch = jnp.minimum(owned0, _NCH - _T)
        skip = owned0 - base_ch
        nch = jnp.minimum(_T, _NCH - owned0)
        copy = pltpu.make_async_copy(
            col_hbm.at[:, pl.ds(base_ch * 128, _T * 128)], idx_v, sem
        )
        copy.start()

        unroll = 25
        zeros = jnp.zeros((_LANES,), jnp.float32)

        def zbody(i, carry):
            zb = i * (_LANES * unroll)
            for j in range(unroll):
                cnt_v[pl.ds(zb + j * _LANES, _LANES)] = zeros
            return carry

        lax.fori_loop(0, _N // (_LANES * unroll), zbody, 0)
        copy.wait()

        ones = jnp.ones((_LANES,), jnp.float32)

        def scatter_chunk(cb):
            for kk in range(128 // _LANES):
                idx = idx_v[1, pl.ds(cb + kk * _LANES, _LANES)]
                plsc.addupdate_scatter(cnt_v, [idx], ones)

        def body(j, carry):
            cb = (skip + 2 * j) * 128
            scatter_chunk(cb)
            scatter_chunk(cb + 128)
            return carry

        lax.fori_loop(0, nch // 2, body, 0)
        scatter_chunk((skip + nch - 1) * 128)

        pltpu.sync_copy(cnt_v, out_hbm.at[wid])

    return k(edge_index_i32)


def _tc_layer1(features, W1, gamma2d, beta2d):

    def body(x_ref, w_ref, g_ref, b_ref, o_ref):
        x = x_ref[...].astype(jnp.bfloat16)
        wa = w_ref[:, :_D].astype(jnp.bfloat16)
        x1 = lax.dot_general(
            x, wa, (((1,), (1,)), ((), ())),
            preferred_element_type=jnp.float32,
        )
        mean = jnp.mean(x1, axis=0, keepdims=True)
        var = jnp.mean(x1 * x1, axis=0, keepdims=True) - mean * mean
        inv = lax.rsqrt(var + 1e-5)
        y = (x1 - mean) * inv * g_ref[...] + b_ref[...]
        o_ref[...] = jnp.maximum(y, 0.0).astype(jnp.bfloat16)

    return pl.pallas_call(
        body,
        out_shape=jax.ShapeDtypeStruct((_N, _D), jnp.bfloat16),
    )(features, W1, gamma2d, beta2d)


def _tc_layer2(x2, counts_parts, W2, b2_2d):

    def body(x_ref, c_ref, w_ref, b_ref, o_ref):
        x = x_ref[...]
        counts = jnp.sum(c_ref[...], axis=0, keepdims=True)
        m2 = lax.dot_general(
            counts.astype(jnp.bfloat16), x, (((1,), (0,)), ((), ())),
            preferred_element_type=jnp.float32,
        ) * (1.0 / _E)
        wa = w_ref[:, :_D]
        wb = w_ref[:, _D:]
        c2 = lax.dot_general(
            m2, wb, (((1,), (1,)), ((), ())),
            preferred_element_type=jnp.float32,
        ) + b_ref[...]
        y = lax.dot_general(
            x, wa.astype(jnp.bfloat16), (((1,), (1,)), ((), ())),
            preferred_element_type=jnp.float32,
        )
        o_ref[...] = y + c2

    return pl.pallas_call(
        body,
        out_shape=jax.ShapeDtypeStruct((_N, _D), jnp.float32),
    )(x2, counts_parts, W2, b2_2d)


@jax.jit
def kernel(features, edge_index, W1, b1, gamma, beta, W2, b2):
    if edge_index.dtype != jnp.int32:
        edge_index = edge_index.astype(jnp.int32)
    counts_parts = _sc_counts(edge_index)
    x2 = _tc_layer1(
        features, W1, gamma.reshape(1, _D), beta.reshape(1, _D)
    )
    return _tc_layer2(x2, counts_parts, W2, b2.reshape(1, _D))

# --- scband reference (transcript-rebuilt; emitter-appended) ---
"""Pipeline reference for scband-graph-sageembedder-56573309223268 (READ-ONLY COPY).

The authoritative reference and input builder live on the scoring server;
editing this copy changes nothing except your own understanding.
"""

import jax, jax.numpy as jnp
import numpy as np

N = 10000
E = 320000
D_IN = 128
D_HID = 128
D_OUT = 128

def setup_inputs(seed: int = 0) -> dict:
    key = jax.random.key(seed)
    k1, k2, k3, k4, k5, k6 = jax.random.split(key, 6)
    features = jax.random.normal(k1, (N, D_IN), dtype=jnp.float32)
    edge_index = jax.random.randint(k2, (2, E), 0, N, dtype=jnp.int64)
    # SAGEConv linear layers: Linear(in*2, out), torch layout [out, in]
    bound1 = 1.0 / np.sqrt(2 * D_IN)
    W1 = jax.random.uniform(k3, (D_HID, 2 * D_IN), dtype=jnp.float32, minval=-bound1, maxval=bound1)
    b1 = jax.random.uniform(k4, (D_HID,), dtype=jnp.float32, minval=-bound1, maxval=bound1)
    bound2 = 1.0 / np.sqrt(2 * D_HID)
    W2 = jax.random.uniform(k5, (D_OUT, 2 * D_HID), dtype=jnp.float32, minval=-bound2, maxval=bound2)
    b2 = jax.random.uniform(k6, (D_OUT,), dtype=jnp.float32, minval=-bound2, maxval=bound2)
    gamma = jnp.ones((D_HID,), dtype=jnp.float32)
    beta = jnp.zeros((D_HID,), dtype=jnp.float32)
    return {"features": features, "edge_index": edge_index, "W1": W1, "b1": b1, "gamma": gamma, "beta": beta, "W2": W2, "b2": b2}

def _sage_conv(x, edge_index, W, b):
    # Faithful to the torch code: gather neighbor features by col, then
    # reduce with mean over dim 0 (global mean over all gathered edges),
    # broadcast-concatenate with x, then linear.
    col = edge_index[1]
    neighbors = jnp.take(x, col, axis=0)  # [E, C] gather
    out = neighbors.mean(axis=0)          # [C]
    out_b = jnp.broadcast_to(out, x.shape)  # broadcast for concat
    h = jnp.concatenate([x, out_b], axis=-1)  # [N, 2C]
    return h @ W.T + b

def _batchnorm1d(x, gamma, beta, eps=1e-5):
    # Training-mode batch statistics (torch BatchNorm1d default mode)
    mean = x.mean(axis=0)
    var = x.var(axis=0)
    return (x - mean) / jnp.sqrt(var + eps) * gamma + beta

def reference(features, edge_index, W1, b1, gamma, beta, W2, b2):
    x = _sage_conv(features, edge_index, W1, b1)
    x = _batchnorm1d(x, gamma, beta)
    x = jax.nn.relu(x)
    # dropout p=0.0 -> identity
    x = _sage_conv(x, edge_index, W2, b2)
    return x

if __name__ == "__main__":
    import jax
    _d = setup_inputs()
    print(jax.jit(kernel)(*tuple(_d.values())))

</pallas_src>

<mosaic_0001>
#map = affine_map<(d0, d1) -> (0, 0)>
module attributes {stable_mosaic.version = 14 : i64} {
  func.func @k(%arg0: i32, %arg1: i32, %arg2: memref<2x320000xi32, #tpu.memory_space<hbm>>, %arg3: memref<32x10000xf32, #tpu.memory_space<hbm>>, %arg4: memref<2x10112xi32, #tpu.memory_space<vmem>>, %arg5: memref<10000xf32, #tpu.memory_space<vmem>>, %arg6: memref<!tpu.dma_semaphore, #tpu.memory_space<semaphore_mem>>) attributes {dimension_semantics = [#tpu.dimension_semantics<core_parallel>, #tpu.dimension_semantics<subcore_parallel>], iteration_bounds = array<i64: 2, 16>, scalar_prefetch = 0 : i64, scratch_operands = 3 : i64, tpu.core_type = #tpu.core_type<sc_vector_subcore>, window_params = [{transform_indices = #map}, {transform_indices = #map}]} {
    %mul3A = arith.constant 2 : i32
    %mul3A_0 = arith.muli %arg1, %mul3A : i32
    %add3A = arith.addi %mul3A_0, %arg0 : i32
    %mul3A_1 = arith.constant 79 : i32
    %mul3A_2 = arith.muli %add3A, %mul3A_1 : i32
    %min3A = arith.constant 2421 : i32
    %min3A_3 = arith.minsi %mul3A_2, %min3A : i32
    %sub3A = arith.subi %mul3A_2, %min3A_3 : i32
    %sub3A_4 = arith.constant 2500 : i32
    %sub3A_5 = arith.subi %sub3A_4, %mul3A_2 : i32
    %min3A_6 = arith.constant 79 : i32
    %min3A_7 = arith.minsi %min3A_6, %sub3A_5 : i32
    %mul3A_8 = arith.constant 128 : i32
    %mul3A_9 = arith.muli %min3A_3, %mul3A_8 : i32
    %dma_start3A = arith.constant 0 : i32
    %dma_start3A_10 = tpu.memref_slice %arg2[%dma_start3A, %mul3A_9] : memref<2x320000xi32, #tpu.memory_space<hbm>> -> memref<2x10112xi32, #tpu.memory_space<hbm>>
    %dma_start3A_11 = arith.constant 0 : i32
    %dma_start3A_12 = tpu.memref_slice %arg2[%dma_start3A_11, %mul3A_9] : memref<2x320000xi32, #tpu.memory_space<hbm>> -> memref<2x10112xi32, #tpu.memory_space<hbm>>
    tpu.enqueue_dma source(%dma_start3A_12 : memref<2x10112xi32, #tpu.memory_space<hbm>>) target(%arg4 : memref<2x10112xi32, #tpu.memory_space<vmem>>) target_semaphore(%arg6 : memref<!tpu.dma_semaphore, #tpu.memory_space<semaphore_mem>>)
    %broadcast_in_dim3A = arith.constant 0.000000e+00 : f32
    %broadcast_in_dim3A_13 = vector.broadcast %broadcast_in_dim3A : f32 to vector<16xf32>
    %scan3A = arith.constant 0 : i32
    %scan3A_14 = arith.constant 0 : i32
    %scan3A_15 = arith.constant 25 : i32
    %scan3A_16 = arith.addi %scan3A_14, %scan3A_15 : i32
    %scan3A_17 = arith.constant 1 : i32
    scf.for %scan3A_102 = %scan3A_14 to %scan3A_16 step %scan3A_17  : i32 {
      %mul3A_103 = arith.constant 400 : i32
      %mul3A_104 = arith.muli %scan3A_102, %mul3A_103 : i32
      %add3A_105 = arith.constant 0 : i32
      %add3A_106 = arith.addi %mul3A_104, %add3A_105 : i32
      %swap3A = arith.index_cast %add3A_106 : i32 to index
      %swap3A_107 = tpu.vector_load %arg5[%swap3A] {strides = array<i32>} : memref<10000xf32, #tpu.memory_space<vmem>>, vector<16xf32>,
      tpu.vector_store %arg5[%swap3A], %broadcast_in_dim3A_13 {strides = array<i32>} : memref<10000xf32, #tpu.memory_space<vmem>>, vector<16xf32>,
      %add3A_108 = arith.constant 16 : i32
      %add3A_109 = arith.addi %mul3A_104, %add3A_108 : i32
      %swap3A_110 = arith.index_cast %add3A_109 : i32 to index
      %swap3A_111 = tpu.vector_load %arg5[%swap3A_110] {strides = array<i32>} : memref<10000xf32, #tpu.memory_space<vmem>>, vector<16xf32>,
      tpu.vector_store %arg5[%swap3A_110], %broadcast_in_dim3A_13 {strides = array<i32>} : memref<10000xf32, #tpu.memory_space<vmem>>, vector<16xf32>,
      %add3A_112 = arith.constant 32 : i32
      %add3A_113 = arith.addi %mul3A_104, %add3A_112 : i32
      %swap3A_114 = arith.index_cast %add3A_113 : i32 to index
      %swap3A_115 = tpu.vector_load %arg5[%swap3A_114] {strides = array<i32>} : memref<10000xf32, #tpu.memory_space<vmem>>, vector<16xf32>,
      tpu.vector_store %arg5[%swap3A_114], %broadcast_in_dim3A_13 {strides = array<i32>} : memref<10000xf32, #tpu.memory_space<vmem>>, vector<16xf32>,
      %add3A_116 = arith.constant 48 : i32
      %add3A_117 = arith.addi %mul3A_104, %add3A_116 : i32
      %swap3A_118 = arith.index_cast %add3A_117 : i32 to index
      %swap3A_119 = tpu.vector_load %arg5[%swap3A_118] {strides = array<i32>} : memref<10000xf32, #tpu.memory_space<vmem>>, vector<16xf32>,
      tpu.vector_store %arg5[%swap3A_118], %broadcast_in_dim3A_13 {strides = array<i32>} : memref<10000xf32, #tpu.memory_space<vmem>>, vector<16xf32>,
      %add3A_120 = arith.constant 64 : i32
      %add3A_121 = arith.addi %mul3A_104, %add3A_120 : i32
      %swap3A_122 = arith.index_cast %add3A_121 : i32 to index
      %swap3A_123 = tpu.vector_load %arg5[%swap3A_122] {strides = array<i32>} : memref<10000xf32, #tpu.memory_space<vmem>>, vector<16xf32>,
      tpu.vector_store %arg5[%swap3A_122], %broadcast_in_dim3A_13 {strides = array<i32>} : memref<10000xf32, #tpu.memory_space<vmem>>, vector<16xf32>,
      %add3A_124 = arith.constant 80 : i32
      %add3A_125 = arith.addi %mul3A_104, %add3A_124 : i32
      %swap3A_126 = arith.index_cast %add3A_125 : i32 to index
      %swap3A_127 = tpu.vector_load %arg5[%swap3A_126] {strides = array<i32>} : memref<10000xf32, #tpu.memory_space<vmem>>, vector<16xf32>,
      tpu.vector_store %arg5[%swap3A_126], %broadcast_in_dim3A_13 {strides = array<i32>} : memref<10000xf32, #tpu.memory_space<vmem>>, vector<16xf32>,
      %add3A_128 = arith.constant 96 : i32
      %add3A_129 = arith.addi %mul3A_104, %add3A_128 : i32
      %swap3A_130 = arith.index_cast %add3A_129 : i32 to index
      %swap3A_131 = tpu.vector_load %arg5[%swap3A_130] {strides = array<i32>} : memref<10000xf32, #tpu.memory_space<vmem>>, vector<16xf32>,
      tpu.vector_store %arg5[%swap3A_130], %broadcast_in_dim3A_13 {strides = array<i32>} : memref<10000xf32, #tpu.memory_space<vmem>>, vector<16xf32>,
      %add3A_132 = arith.constant 112 : i32
      %add3A_133 = arith.addi %mul3A_104, %add3A_132 : i32
      %swap3A_134 = arith.index_cast %add3A_133 : i32 to index
      %swap3A_135 = tpu.vector_load %arg5[%swap3A_134] {strides = array<i32>} : memref<10000xf32, #tpu.memory_space<vmem>>, vector<16xf32>,
      tpu.vector_store %arg5[%swap3A_134], %broadcast_in_dim3A_13 {strides = array<i32>} : memref<10000xf32, #tpu.memory_space<vmem>>, vector<16xf32>,
      %add3A_136 = arith.constant 128 : i32
      %add3A_137 = arith.addi %mul3A_104, %add3A_136 : i32
      %swap3A_138 = arith.index_cast %add3A_137 : i32 to index
      %swap3A_139 = tpu.vector_load %arg5[%swap3A_138] {strides = array<i32>} : memref<10000xf32, #tpu.memory_space<vmem>>, vector<16xf32>,
      tpu.vector_store %arg5[%swap3A_138], %broadcast_in_dim3A_13 {strides = array<i32>} : memref<10000xf32, #tpu.memory_space<vmem>>, vector<16xf32>,
      %add3A_140 = arith.constant 144 : i32
      %add3A_141 = arith.addi %mul3A_104, %add3A_140 : i32
      %swap3A_142 = arith.index_cast %add3A_141 : i32 to index
      %swap3A_143 = tpu.vector_load %arg5[%swap3A_142] {strides = array<i32>} : memref<10000xf32, #tpu.memory_space<vmem>>, vector<16xf32>,
      tpu.vector_store %arg5[%swap3A_142], %broadcast_in_dim3A_13 {strides = array<i32>} : memref<10000xf32, #tpu.memory_space<vmem>>, vector<16xf32>,
      %add3A_144 = arith.constant 160 : i32
      %add3A_145 = arith.addi %mul3A_104, %add3A_144 : i32
      %swap3A_146 = arith.index_cast %add3A_145 : i32 to index
      %swap3A_147 = tpu.vector_load %arg5[%swap3A_146] {strides = array<i32>} : memref<10000xf32, #tpu.memory_space<vmem>>, vector<16xf32>,
      tpu.vector_store %arg5[%swap3A_146], %broadcast_in_dim3A_13 {strides = array<i32>} : memref<10000xf32, #tpu.memory_space<vmem>>, vector<16xf32>,
      %add3A_148 = arith.constant 176 : i32
      %add3A_149 = arith.addi %mul3A_104, %add3A_148 : i32
      %swap3A_150 = arith.index_cast %add3A_149 : i32 to index
      %swap3A_151 = tpu.vector_load %arg5[%swap3A_150] {strides = array<i32>} : memref<10000xf32, #tpu.memory_space<vmem>>, vector<16xf32>,
      tpu.vector_store %arg5[%swap3A_150], %broadcast_in_dim3A_13 {strides = array<i32>} : memref<10000xf32, #tpu.memory_space<vmem>>, vector<16xf32>,
      %add3A_152 = arith.constant 192 : i32
      %add3A_153 = arith.addi %mul3A_104, %add3A_152 : i32
      %swap3A_154 = arith.index_cast %add3A_153 : i32 to index
      %swap3A_155 = tpu.vector_load %arg5[%swap3A_154] {strides = array<i32>} : memref<10000xf32, #tpu.memory_space<vmem>>, vector<16xf32>,
      tpu.vector_store %arg5[%swap3A_154], %broadcast_in_dim3A_13 {strides = array<i32>} : memref<10000xf32, #tpu.memory_space<vmem>>, vector<16xf32>,
      %add3A_156 = arith.constant 208 : i32
      %add3A_157 = arith.addi %mul3A_104, %add3A_156 : i32
      %swap3A_158 = arith.index_cast %add3A_157 : i32 to index
      %swap3A_159 = tpu.vector_load %arg5[%swap3A_158] {strides = array<i32>} : memref<10000xf32, #tpu.memory_space<vmem>>, vector<16xf32>,
      tpu.vector_store %arg5[%swap3A_158], %broadcast_in_dim3A_13 {strides = array<i32>} : memref<10000xf32, #tpu.memory_space<vmem>>, vector<16xf32>,
      %add3A_160 = arith.constant 224 : i32
      %add3A_161 = arith.addi %mul3A_104, %add3A_160 : i32
      %swap3A_162 = arith.index_cast %add3A_161 : i32 to index
      %swap3A_163 = tpu.vector_load %arg5[%swap3A_162] {strides = array<i32>} : memref<10000xf32, #tpu.memory_space<vmem>>, vector<16xf32>,
      tpu.vector_store %arg5[%swap3A_162], %broadcast_in_dim3A_13 {strides = array<i32>} : memref<10000xf32, #tpu.memory_space<vmem>>, vector<16xf32>,
      %add3A_164 = arith.constant 240 : i32
      %add3A_165 = arith.addi %mul3A_104, %add3A_164 : i32
      %swap3A_166 = arith.index_cast %add3A_165 : i32 to index
      %swap3A_167 = tpu.vector_load %arg5[%swap3A_166] {strides = array<i32>} : memref<10000xf32, #tpu.memory_space<vmem>>, vector<16xf32>,
      tpu.vector_store %arg5[%swap3A_166], %broadcast_in_dim3A_13 {strides = array<i32>} : memref<10000xf32, #tpu.memory_space<vmem>>, vector<16xf32>,
      %add3A_168 = arith.constant 256 : i32
      %add3A_169 = arith.addi %mul3A_104, %add3A_168 : i32
      %swap3A_170 = arith.index_cast %add3A_169 : i32 to index
      %swap3A_171 = tpu.vector_load %arg5[%swap3A_170] {strides = array<i32>} : memref<10000xf32, #tpu.memory_space<vmem>>, vector<16xf32>,
      tpu.vector_store %arg5[%swap3A_170], %broadcast_in_dim3A_13 {strides = array<i32>} : memref<10000xf32, #tpu.memory_space<vmem>>, vector<16xf32>,
      %add3A_172 = arith.constant 272 : i32
      %add3A_173 = arith.addi %mul3A_104, %add3A_172 : i32
      %swap3A_174 = arith.index_cast %add3A_173 : i32 to index
      %swap3A_175 = tpu.vector_load %arg5[%swap3A_174] {strides = array<i32>} : memref<10000xf32, #tpu.memory_space<vmem>>, vector<16xf32>,
      tpu.vector_store %arg5[%swap3A_174], %broadcast_in_dim3A_13 {strides = array<i32>} : memref<10000xf32, #tpu.memory_space<vmem>>, vector<16xf32>,
      %add3A_176 = arith.constant 288 : i32
      %add3A_177 = arith.addi %mul3A_104, %add3A_176 : i32
      %swap3A_178 = arith.index_cast %add3A_177 : i32 to index
      %swap3A_179 = tpu.vector_load %arg5[%swap3A_178] {strides = array<i32>} : memref<10000xf32, #tpu.memory_space<vmem>>, vector<16xf32>,
      tpu.vector_store %arg5[%swap3A_178], %broadcast_in_dim3A_13 {strides = array<i32>} : memref<10000xf32, #tpu.memory_space<vmem>>, vector<16xf32>,
      %add3A_180 = arith.constant 304 : i32
      %add3A_181 = arith.addi %mul3A_104, %add3A_180 : i32
      %swap3A_182 = arith.index_cast %add3A_181 : i32 to index
      %swap3A_183 = tpu.vector_load %arg5[%swap3A_182] {strides = array<i32>} : memref<10000xf32, #tpu.memory_space<vmem>>, vector<16xf32>,
      tpu.vector_store %arg5[%swap3A_182], %broadcast_in_dim3A_13 {strides = array<i32>} : memref<10000xf32, #tpu.memory_space<vmem>>, vector<16xf32>,
      %add3A_184 = arith.constant 320 : i32
      %add3A_185 = arith.addi %mul3A_104, %add3A_184 : i32
      %swap3A_186 = arith.index_cast %add3A_185 : i32 to index
      %swap3A_187 = tpu.vector_load %arg5[%swap3A_186] {strides = array<i32>} : memref<10000xf32, #tpu.memory_space<vmem>>, vector<16xf32>,
      tpu.vector_store %arg5[%swap3A_186], %broadcast_in_dim3A_13 {strides = array<i32>} : memref<10000xf32, #tpu.memory_space<vmem>>, vector<16xf32>,
      %add3A_188 = arith.constant 336 : i32
      %add3A_189 = arith.addi %mul3A_104, %add3A_188 : i32
      %swap3A_190 = arith.index_cast %add3A_189 : i32 to index
      %swap3A_191 = tpu.vector_load %arg5[%swap3A_190] {strides = array<i32>} : memref<10000xf32, #tpu.memory_space<vmem>>, vector<16xf32>,
      tpu.vector_store %arg5[%swap3A_190], %broadcast_in_dim3A_13 {strides = array<i32>} : memref<10000xf32, #tpu.memory_space<vmem>>, vector<16xf32>,
      %add3A_192 = arith.constant 352 : i32
      %add3A_193 = arith.addi %mul3A_104, %add3A_192 : i32
      %swap3A_194 = arith.index_cast %add3A_193 : i32 to index
      %swap3A_195 = tpu.vector_load %arg5[%swap3A_194] {strides = array<i32>} : memref<10000xf32, #tpu.memory_space<vmem>>, vector<16xf32>,
      tpu.vector_store %arg5[%swap3A_194], %broadcast_in_dim3A_13 {strides = array<i32>} : memref<10000xf32, #tpu.memory_space<vmem>>, vector<16xf32>,
      %add3A_196 = arith.constant 368 : i32
      %add3A_197 = arith.addi %mul3A_104, %add3A_196 : i32
      %swap3A_198 = arith.index_cast %add3A_197 : i32 to index
      %swap3A_199 = tpu.vector_load %arg5[%swap3A_198] {strides = array<i32>} : memref<10000xf32, #tpu.memory_space<vmem>>, vector<16xf32>,
      tpu.vector_store %arg5[%swap3A_198], %broadcast_in_dim3A_13 {strides = array<i32>} : memref<10000xf32, #tpu.memory_space<vmem>>, vector<16xf32>,
      %add3A_200 = arith.constant 384 : i32
      %add3A_201 = arith.addi %mul3A_104, %add3A_200 : i32
      %swap3A_202 = arith.index_cast %add3A_201 : i32 to index
      %swap3A_203 = tpu.vector_load %arg5[%swap3A_202] {strides = array<i32>} : memref<10000xf32, #tpu.memory_space<vmem>>, vector<16xf32>,
      tpu.vector_store %arg5[%swap3A_202], %broadcast_in_dim3A_13 {strides = array<i32>} : memref<10000xf32, #tpu.memory_space<vmem>>, vector<16xf32>,
    }
    %scan3A_18 = arith.constant 25 : i32
    %dma_wait3A = arith.constant 0 : i32
    %dma_wait3A_19 = tpu.memref_slice %arg2[%dma_wait3A, %mul3A_9] : memref<2x320000xi32, #tpu.memory_space<hbm>> -> memref<2x10112xi32, #tpu.memory_space<hbm>>
    %dma_wait3A_20 = arith.constant 0 : i32
    %dma_wait3A_21 = tpu.memref_slice %arg2[%dma_wait3A_20, %mul3A_9] : memref<2x320000xi32, #tpu.memory_space<hbm>> -> memref<2x10112xi32, #tpu.memory_space<hbm>>
    tpu.wait_dma2 semaphore(%arg6 : memref<!tpu.dma_semaphore, #tpu.memory_space<semaphore_mem>>) src(%dma_wait3A_21 : memref<2x10112xi32, #tpu.memory_space<hbm>>) dst(%arg4 : memref<2x10112xi32, #tpu.memory_space<vmem>>)
    %broadcast_in_dim3A_22 = arith.constant 1.000000e+00 : f32
    %broadcast_in_dim3A_23 = vector.broadcast %broadcast_in_dim3A_22 : f32 to vector<16xf32>
    %jit3A = arith.constant 2 : i32
    %div3A = arith.divsi %min3A_7, %jit3A : i32
    %sign3A = arith.constant 0 : i32
    %sign3A_24 = arith.cmpi sgt, %min3A_7, %sign3A : i32
    %sign3A_25 = arith.extui %sign3A_24 : i1 to i32
    %sign3A_26 = arith.constant 0 : i32
    %sign3A_27 = arith.cmpi slt, %min3A_7, %sign3A_26 : i32
    %sign3A_28 = arith.extui %sign3A_27 : i1 to i32
    %sign3A_29 = arith.subi %sign3A_25, %sign3A_28 : i32
    %sign3A_30 = arith.constant 0 : i32
    %sign3A_31 = arith.cmpi sgt, %jit3A, %sign3A_30 : i32
    %sign3A_32 = arith.extui %sign3A_31 : i1 to i32
    %sign3A_33 = arith.constant 0 : i32
    %sign3A_34 = arith.cmpi slt, %jit3A, %sign3A_33 : i32
    %sign3A_35 = arith.extui %sign3A_34 : i1 to i32
    %sign3A_36 = arith.subi %sign3A_32, %sign3A_35 : i32
    %ne3A = arith.cmpi ne, %sign3A_29, %sign3A_36 : i32
    %rem3A = arith.remsi %min3A_7, %jit3A : i32
    %ne3A_37 = arith.constant 0 : i32
    %ne3A_38 = arith.cmpi ne, %rem3A, %ne3A_37 : i32
    %and3A = arith.andi %ne3A, %ne3A_38 : i1
    %sub3A_39 = arith.constant 1 : i32
    %sub3A_40 = arith.subi %div3A, %sub3A_39 : i32
    %select_n3A = arith.select %and3A, %sub3A_40, %div3A : i32
    %while3A = arith.constant 0 : i32
    %while3A_41 = arith.constant 0 : i32
    %while3A_42 = arith.subi %select_n3A, %while3A_41 : i32
    %while3A_43 = arith.addi %while3A_41, %while3A_42 : i32
    %while3A_44 = arith.constant 1 : i32
    %while3A_45 = arith.divsi %while3A_42, %while3A_44 : i32
    %while3A_46 = arith.muli %while3A_45, %while3A_44 : i32
    %while3A_47 = arith.addi %while3A_41, %while3A_46 : i32
    %while3A_48 = arith.constant 1 : i32
    scf.for %while3A_102 = %while3A_41 to %while3A_47 step %while3A_48  : i32 {
      %mul3A_103 = arith.constant 2 : i32
      %mul3A_104 = arith.muli %mul3A_103, %while3A_102 : i32
      %add3A_105 = arith.addi %sub3A, %mul3A_104 : i32
      %mul3A_106 = arith.constant 128 : i32
      %mul3A_107 = arith.muli %add3A_105, %mul3A_106 : i32
      %add3A_108 = arith.constant 0 : i32
      %add3A_109 = arith.addi %mul3A_107, %add3A_108 : i32
      %get3A_110 = arith.constant 1 : i32
      %get3A_111 = arith.index_cast %get3A_110 : i32 to index
      %get3A_112 = arith.index_cast %add3A_109 : i32 to index
      %get3A_113 = tpu.vector_load %arg4[%get3A_111, %get3A_112] {strides = array<i32>} : memref<2x10112xi32, #tpu.memory_space<vmem>>, vector<16xi32>,
      tpu.vector_store_idx %arg5[%get3A_113], %broadcast_in_dim3A_23 {add = true} : memref<10000xf32, #tpu.memory_space<vmem>>[vector<16xi32>], vector<16xf32>,
      %add3A_114 = arith.constant 16 : i32
      %add3A_115 = arith.addi %mul3A_107, %add3A_114 : i32
      %get3A_116 = arith.constant 1 : i32
      %get3A_117 = arith.index_cast %get3A_116 : i32 to index
      %get3A_118 = arith.index_cast %add3A_115 : i32 to index
      %get3A_119 = tpu.vector_load %arg4[%get3A_117, %get3A_118] {strides = array<i32>} : memref<2x10112xi32, #tpu.memory_space<vmem>>, vector<16xi32>,
      tpu.vector_store_idx %arg5[%get3A_119], %broadcast_in_dim3A_23 {add = true} : memref<10000xf32, #tpu.memory_space<vmem>>[vector<16xi32>], vector<16xf32>,
      %add3A_120 = arith.constant 32 : i32
      %add3A_121 = arith.addi %mul3A_107, %add3A_120 : i32
      %get3A_122 = arith.constant 1 : i32
      %get3A_123 = arith.index_cast %get3A_122 : i32 to index
      %get3A_124 = arith.index_cast %add3A_121 : i32 to index
      %get3A_125 = tpu.vector_load %arg4[%get3A_123, %get3A_124] {strides = array<i32>} : memref<2x10112xi32, #tpu.memory_space<vmem>>, vector<16xi32>,
      tpu.vector_store_idx %arg5[%get3A_125], %broadcast_in_dim3A_23 {add = true} : memref<10000xf32, #tpu.memory_space<vmem>>[vector<16xi32>], vector<16xf32>,
      %add3A_126 = arith.constant 48 : i32
      %add3A_127 = arith.addi %mul3A_107, %add3A_126 : i32
      %get3A_128 = arith.constant 1 : i32
      %get3A_129 = arith.index_cast %get3A_128 : i32 to index
      %get3A_130 = arith.index_cast %add3A_127 : i32 to index
      %get3A_131 = tpu.vector_load %arg4[%get3A_129, %get3A_130] {strides = array<i32>} : memref<2x10112xi32, #tpu.memory_space<vmem>>, vector<16xi32>,
      tpu.vector_store_idx %arg5[%get3A_131], %broadcast_in_dim3A_23 {add = true} : memref<10000xf32, #tpu.memory_space<vmem>>[vector<16xi32>], vector<16xf32>,
      %add3A_132 = arith.constant 64 : i32
      %add3A_133 = arith.addi %mul3A_107, %add3A_132 : i32
      %get3A_134 = arith.constant 1 : i32
      %get3A_135 = arith.index_cast %get3A_134 : i32 to index
      %get3A_136 = arith.index_cast %add3A_133 : i32 to index
      %get3A_137 = tpu.vector_load %arg4[%get3A_135, %get3A_136] {strides = array<i32>} : memref<2x10112xi32, #tpu.memory_space<vmem>>, vector<16xi32>,
      tpu.vector_store_idx %arg5[%get3A_137], %broadcast_in_dim3A_23 {add = true} : memref<10000xf32, #tpu.memory_space<vmem>>[vector<16xi32>], vector<16xf32>,
      %add3A_138 = arith.constant 80 : i32
      %add3A_139 = arith.addi %mul3A_107, %add3A_138 : i32
      %get3A_140 = arith.constant 1 : i32
      %get3A_141 = arith.index_cast %get3A_140 : i32 to index
      %get3A_142 = arith.index_cast %add3A_139 : i32 to index
      %get3A_143 = tpu.vector_load %arg4[%get3A_141, %get3A_142] {strides = array<i32>} : memref<2x10112xi32, #tpu.memory_space<vmem>>, vector<16xi32>,
      tpu.vector_store_idx %arg5[%get3A_143], %broadcast_in_dim3A_23 {add = true} : memref<10000xf32, #tpu.memory_space<vmem>>[vector<16xi32>], vector<16xf32>,
      %add3A_144 = arith.constant 96 : i32
      %add3A_145 = arith.addi %mul3A_107, %add3A_144 : i32
      %get3A_146 = arith.constant 1 : i32
      %get3A_147 = arith.index_cast %get3A_146 : i32 to index
      %get3A_148 = arith.index_cast %add3A_145 : i32 to index
      %get3A_149 = tpu.vector_load %arg4[%get3A_147, %get3A_148] {strides = array<i32>} : memref<2x10112xi32, #tpu.memory_space<vmem>>, vector<16xi32>,
      tpu.vector_store_idx %arg5[%get3A_149], %broadcast_in_dim3A_23 {add = true} : memref<10000xf32, #tpu.memory_space<vmem>>[vector<16xi32>], vector<16xf32>,
      %add3A_150 = arith.constant 112 : i32
      %add3A_151 = arith.addi %mul3A_107, %add3A_150 : i32
      %get3A_152 = arith.constant 1 : i32
      %get3A_153 = arith.index_cast %get3A_152 : i32 to index
      %get3A_154 = arith.index_cast %add3A_151 : i32 to index
      %get3A_155 = tpu.vector_load %arg4[%get3A_153, %get3A_154] {strides = array<i32>} : memref<2x10112xi32, #tpu.memory_space<vmem>>, vector<16xi32>,
      tpu.vector_store_idx %arg5[%get3A_155], %broadcast_in_dim3A_23 {add = true} : memref<10000xf32, #tpu.memory_space<vmem>>[vector<16xi32>], vector<16xf32>,
      %add3A_156 = arith.constant 128 : i32
      %add3A_157 = arith.addi %mul3A_107, %add3A_156 : i32
      %add3A_158 = arith.constant 0 : i32
      %add3A_159 = arith.addi %add3A_157, %add3A_158 : i32
      %get3A_160 = arith.constant 1 : i32
      %get3A_161 = arith.index_cast %get3A_160 : i32 to index
      %get3A_162 = arith.index_cast %add3A_159 : i32 to index
      %get3A_163 = tpu.vector_load %arg4[%get3A_161, %get3A_162] {strides = array<i32>} : memref<2x10112xi32, #tpu.memory_space<vmem>>, vector<16xi32>,
      tpu.vector_store_idx %arg5[%get3A_163], %broadcast_in_dim3A_23 {add = true} : memref<10000xf32, #tpu.memory_space<vmem>>[vector<16xi32>], vector<16xf32>,
      %add3A_164 = arith.constant 16 : i32
      %add3A_165 = arith.addi %add3A_157, %add3A_164 : i32
      %get3A_166 = arith.constant 1 : i32
      %get3A_167 = arith.index_cast %get3A_166 : i32 to index
      %get3A_168 = arith.index_cast %add3A_165 : i32 to index
      %get3A_169 = tpu.vector_load %arg4[%get3A_167, %get3A_168] {strides = array<i32>} : memref<2x10112xi32, #tpu.memory_space<vmem>>, vector<16xi32>,
      tpu.vector_store_idx %arg5[%get3A_169], %broadcast_in_dim3A_23 {add = true} : memref<10000xf32, #tpu.memory_space<vmem>>[vector<16xi32>], vector<16xf32>,
      %add3A_170 = arith.constant 32 : i32
      %add3A_171 = arith.addi %add3A_157, %add3A_170 : i32
      %get3A_172 = arith.constant 1 : i32
      %get3A_173 = arith.index_cast %get3A_172 : i32 to index
      %get3A_174 = arith.index_cast %add3A_171 : i32 to index
      %get3A_175 = tpu.vector_load %arg4[%get3A_173, %get3A_174] {strides = array<i32>} : memref<2x10112xi32, #tpu.memory_space<vmem>>, vector<16xi32>,
      tpu.vector_store_idx %arg5[%get3A_175], %broadcast_in_dim3A_23 {add = true} : memref<10000xf32, #tpu.memory_space<vmem>>[vector<16xi32>], vector<16xf32>,
      %add3A_176 = arith.constant 48 : i32
      %add3A_177 = arith.addi %add3A_157, %add3A_176 : i32
      %get3A_178 = arith.constant 1 : i32
      %get3A_179 = arith.index_cast %get3A_178 : i32 to index
      %get3A_180 = arith.index_cast %add3A_177 : i32 to index
      %get3A_181 = tpu.vector_load %arg4[%get3A_179, %get3A_180] {strides = array<i32>} : memref<2x10112xi32, #tpu.memory_space<vmem>>, vector<16xi32>,
      tpu.vector_store_idx %arg5[%get3A_181], %broadcast_in_dim3A_23 {add = true} : memref<10000xf32, #tpu.memory_space<vmem>>[vector<16xi32>], vector<16xf32>,
      %add3A_182 = arith.constant 64 : i32
      %add3A_183 = arith.addi %add3A_157, %add3A_182 : i32
      %get3A_184 = arith.constant 1 : i32
      %get3A_185 = arith.index_cast %get3A_184 : i32 to index
      %get3A_186 = arith.index_cast %add3A_183 : i32 to index
      %get3A_187 = tpu.vector_load %arg4[%get3A_185, %get3A_186] {strides = array<i32>} : memref<2x10112xi32, #tpu.memory_space<vmem>>, vector<16xi32>,
      tpu.vector_store_idx %arg5[%get3A_187], %broadcast_in_dim3A_23 {add = true} : memref<10000xf32, #tpu.memory_space<vmem>>[vector<16xi32>], vector<16xf32>,
      %add3A_188 = arith.constant 80 : i32
      %add3A_189 = arith.addi %add3A_157, %add3A_188 : i32
      %get3A_190 = arith.constant 1 : i32
      %get3A_191 = arith.index_cast %get3A_190 : i32 to index
      %get3A_192 = arith.index_cast %add3A_189 : i32 to index
      %get3A_193 = tpu.vector_load %arg4[%get3A_191, %get3A_192] {strides = array<i32>} : memref<2x10112xi32, #tpu.memory_space<vmem>>, vector<16xi32>,
      tpu.vector_store_idx %arg5[%get3A_193], %broadcast_in_dim3A_23 {add = true} : memref<10000xf32, #tpu.memory_space<vmem>>[vector<16xi32>], vector<16xf32>,
      %add3A_194 = arith.constant 96 : i32
      %add3A_195 = arith.addi %add3A_157, %add3A_194 : i32
      %get3A_196 = arith.constant 1 : i32
      %get3A_197 = arith.index_cast %get3A_196 : i32 to index
      %get3A_198 = arith.index_cast %add3A_195 : i32 to index
      %get3A_199 = tpu.vector_load %arg4[%get3A_197, %get3A_198] {strides = array<i32>} : memref<2x10112xi32, #tpu.memory_space<vmem>>, vector<16xi32>,
      tpu.vector_store_idx %arg5[%get3A_199], %broadcast_in_dim3A_23 {add = true} : memref<10000xf32, #tpu.memory_space<vmem>>[vector<16xi32>], vector<16xf32>,
      %add3A_200 = arith.constant 112 : i32
      %add3A_201 = arith.addi %add3A_157, %add3A_200 : i32
      %get3A_202 = arith.constant 1 : i32
      %get3A_203 = arith.index_cast %get3A_202 : i32 to index
      %get3A_204 = arith.index_cast %add3A_201 : i32 to index
      %get3A_205 = tpu.vector_load %arg4[%get3A_203, %get3A_204] {strides = array<i32>} : memref<2x10112xi32, #tpu.memory_space<vmem>>, vector<16xi32>,
      tpu.vector_store_idx %arg5[%get3A_205], %broadcast_in_dim3A_23 {add = true} : memref<10000xf32, #tpu.memory_space<vmem>>[vector<16xi32>], vector<16xf32>,
    }
    %while3A_49 = arith.constant 1 : i32
    scf.for %while3A_102 = %while3A_47 to %while3A_43 step %while3A_49  : i32 {
      %mul3A_103 = arith.constant 2 : i32
      %mul3A_104 = arith.muli %mul3A_103, %while3A_102 : i32
      %add3A_105 = arith.addi %sub3A, %mul3A_104 : i32
      %mul3A_106 = arith.constant 128 : i32
      %mul3A_107 = arith.muli %add3A_105, %mul3A_106 : i32
      %add3A_108 = arith.constant 0 : i32
      %add3A_109 = arith.addi %mul3A_107, %add3A_108 : i32
      %get3A_110 = arith.constant 1 : i32
      %get3A_111 = arith.index_cast %get3A_110 : i32 to index
      %get3A_112 = arith.index_cast %add3A_109 : i32 to index
      %get3A_113 = tpu.vector_load %arg4[%get3A_111, %get3A_112] {strides = array<i32>} : memref<2x10112xi32, #tpu.memory_space<vmem>>, vector<16xi32>,
      tpu.vector_store_idx %arg5[%get3A_113], %broadcast_in_dim3A_23 {add = true} : memref<10000xf32, #tpu.memory_space<vmem>>[vector<16xi32>], vector<16xf32>,
      %add3A_114 = arith.constant 16 : i32
      %add3A_115 = arith.addi %mul3A_107, %add3A_114 : i32
      %get3A_116 = arith.constant 1 : i32
      %get3A_117 = arith.index_cast %get3A_116 : i32 to index
      %get3A_118 = arith.index_cast %add3A_115 : i32 to index
      %get3A_119 = tpu.vector_load %arg4[%get3A_117, %get3A_118] {strides = array<i32>} : memref<2x10112xi32, #tpu.memory_space<vmem>>, vector<16xi32>,
      tpu.vector_store_idx %arg5[%get3A_119], %broadcast_in_dim3A_23 {add = true} : memref<10000xf32, #tpu.memory_space<vmem>>[vector<16xi32>], vector<16xf32>,
      %add3A_120 = arith.constant 32 : i32
      %add3A_121 = arith.addi %mul3A_107, %add3A_120 : i32
      %get3A_122 = arith.constant 1 : i32
      %get3A_123 = arith.index_cast %get3A_122 : i32 to index
      %get3A_124 = arith.index_cast %add3A_121 : i32 to index
      %get3A_125 = tpu.vector_load %arg4[%get3A_123, %get3A_124] {strides = array<i32>} : memref<2x10112xi32, #tpu.memory_space<vmem>>, vector<16xi32>,
      tpu.vector_store_idx %arg5[%get3A_125], %broadcast_in_dim3A_23 {add = true} : memref<10000xf32, #tpu.memory_space<vmem>>[vector<16xi32>], vector<16xf32>,
      %add3A_126 = arith.constant 48 : i32
      %add3A_127 = arith.addi %mul3A_107, %add3A_126 : i32
      %get3A_128 = arith.constant 1 : i32
      %get3A_129 = arith.index_cast %get3A_128 : i32 to index
      %get3A_130 = arith.index_cast %add3A_127 : i32 to index
      %get3A_131 = tpu.vector_load %arg4[%get3A_129, %get3A_130] {strides = array<i32>} : memref<2x10112xi32, #tpu.memory_space<vmem>>, vector<16xi32>,
      tpu.vector_store_idx %arg5[%get3A_131], %broadcast_in_dim3A_23 {add = true} : memref<10000xf32, #tpu.memory_space<vmem>>[vector<16xi32>], vector<16xf32>,
      %add3A_132 = arith.constant 64 : i32
      %add3A_133 = arith.addi %mul3A_107, %add3A_132 : i32
      %get3A_134 = arith.constant 1 : i32
      %get3A_135 = arith.index_cast %get3A_134 : i32 to index
      %get3A_136 = arith.index_cast %add3A_133 : i32 to index
      %get3A_137 = tpu.vector_load %arg4[%get3A_135, %get3A_136] {strides = array<i32>} : memref<2x10112xi32, #tpu.memory_space<vmem>>, vector<16xi32>,
      tpu.vector_store_idx %arg5[%get3A_137], %broadcast_in_dim3A_23 {add = true} : memref<10000xf32, #tpu.memory_space<vmem>>[vector<16xi32>], vector<16xf32>,
      %add3A_138 = arith.constant 80 : i32
      %add3A_139 = arith.addi %mul3A_107, %add3A_138 : i32
      %get3A_140 = arith.constant 1 : i32
      %get3A_141 = arith.index_cast %get3A_140 : i32 to index
      %get3A_142 = arith.index_cast %add3A_139 : i32 to index
      %get3A_143 = tpu.vector_load %arg4[%get3A_141, %get3A_142] {strides = array<i32>} : memref<2x10112xi32, #tpu.memory_space<vmem>>, vector<16xi32>,
      tpu.vector_store_idx %arg5[%get3A_143], %broadcast_in_dim3A_23 {add = true} : memref<10000xf32, #tpu.memory_space<vmem>>[vector<16xi32>], vector<16xf32>,
      %add3A_144 = arith.constant 96 : i32
      %add3A_145 = arith.addi %mul3A_107, %add3A_144 : i32
      %get3A_146 = arith.constant 1 : i32
      %get3A_147 = arith.index_cast %get3A_146 : i32 to index
      %get3A_148 = arith.index_cast %add3A_145 : i32 to index
      %get3A_149 = tpu.vector_load %arg4[%get3A_147, %get3A_148] {strides = array<i32>} : memref<2x10112xi32, #tpu.memory_space<vmem>>, vector<16xi32>,
      tpu.vector_store_idx %arg5[%get3A_149], %broadcast_in_dim3A_23 {add = true} : memref<10000xf32, #tpu.memory_space<vmem>>[vector<16xi32>], vector<16xf32>,
      %add3A_150 = arith.constant 112 : i32
      %add3A_151 = arith.addi %mul3A_107, %add3A_150 : i32
      %get3A_152 = arith.constant 1 : i32
      %get3A_153 = arith.index_cast %get3A_152 : i32 to index
      %get3A_154 = arith.index_cast %add3A_151 : i32 to index
      %get3A_155 = tpu.vector_load %arg4[%get3A_153, %get3A_154] {strides = array<i32>} : memref<2x10112xi32, #tpu.memory_space<vmem>>, vector<16xi32>,
      tpu.vector_store_idx %arg5[%get3A_155], %broadcast_in_dim3A_23 {add = true} : memref<10000xf32, #tpu.memory_space<vmem>>[vector<16xi32>], vector<16xf32>,
      %add3A_156 = arith.constant 128 : i32
      %add3A_157 = arith.addi %mul3A_107, %add3A_156 : i32
      %add3A_158 = arith.constant 0 : i32
      %add3A_159 = arith.addi %add3A_157, %add3A_158 : i32
      %get3A_160 = arith.constant 1 : i32
      %get3A_161 = arith.index_cast %get3A_160 : i32 to index
      %get3A_162 = arith.index_cast %add3A_159 : i32 to index
      %get3A_163 = tpu.vector_load %arg4[%get3A_161, %get3A_162] {strides = array<i32>} : memref<2x10112xi32, #tpu.memory_space<vmem>>, vector<16xi32>,
      tpu.vector_store_idx %arg5[%get3A_163], %broadcast_in_dim3A_23 {add = true} : memref<10000xf32, #tpu.memory_space<vmem>>[vector<16xi32>], vector<16xf32>,
      %add3A_164 = arith.constant 16 : i32
      %add3A_165 = arith.addi %add3A_157, %add3A_164 : i32
      %get3A_166 = arith.constant 1 : i32
      %get3A_167 = arith.index_cast %get3A_166 : i32 to index
      %get3A_168 = arith.index_cast %add3A_165 : i32 to index
      %get3A_169 = tpu.vector_load %arg4[%get3A_167, %get3A_168] {strides = array<i32>} : memref<2x10112xi32, #tpu.memory_space<vmem>>, vector<16xi32>,
      tpu.vector_store_idx %arg5[%get3A_169], %broadcast_in_dim3A_23 {add = true} : memref<10000xf32, #tpu.memory_space<vmem>>[vector<16xi32>], vector<16xf32>,
      %add3A_170 = arith.constant 32 : i32
      %add3A_171 = arith.addi %add3A_157, %add3A_170 : i32
      %get3A_172 = arith.constant 1 : i32
      %get3A_173 = arith.index_cast %get3A_172 : i32 to index
      %get3A_174 = arith.index_cast %add3A_171 : i32 to index
      %get3A_175 = tpu.vector_load %arg4[%get3A_173, %get3A_174] {strides = array<i32>} : memref<2x10112xi32, #tpu.memory_space<vmem>>, vector<16xi32>,
      tpu.vector_store_idx %arg5[%get3A_175], %broadcast_in_dim3A_23 {add = true} : memref<10000xf32, #tpu.memory_space<vmem>>[vector<16xi32>], vector<16xf32>,
      %add3A_176 = arith.constant 48 : i32
      %add3A_177 = arith.addi %add3A_157, %add3A_176 : i32
      %get3A_178 = arith.constant 1 : i32
      %get3A_179 = arith.index_cast %get3A_178 : i32 to index
      %get3A_180 = arith.index_cast %add3A_177 : i32 to index
      %get3A_181 = tpu.vector_load %arg4[%get3A_179, %get3A_180] {strides = array<i32>} : memref<2x10112xi32, #tpu.memory_space<vmem>>, vector<16xi32>,
      tpu.vector_store_idx %arg5[%get3A_181], %broadcast_in_dim3A_23 {add = true} : memref<10000xf32, #tpu.memory_space<vmem>>[vector<16xi32>], vector<16xf32>,
      %add3A_182 = arith.constant 64 : i32
      %add3A_183 = arith.addi %add3A_157, %add3A_182 : i32
      %get3A_184 = arith.constant 1 : i32
      %get3A_185 = arith.index_cast %get3A_184 : i32 to index
      %get3A_186 = arith.index_cast %add3A_183 : i32 to index
      %get3A_187 = tpu.vector_load %arg4[%get3A_185, %get3A_186] {strides = array<i32>} : memref<2x10112xi32, #tpu.memory_space<vmem>>, vector<16xi32>,
      tpu.vector_store_idx %arg5[%get3A_187], %broadcast_in_dim3A_23 {add = true} : memref<10000xf32, #tpu.memory_space<vmem>>[vector<16xi32>], vector<16xf32>,
      %add3A_188 = arith.constant 80 : i32
      %add3A_189 = arith.addi %add3A_157, %add3A_188 : i32
      %get3A_190 = arith.constant 1 : i32
      %get3A_191 = arith.index_cast %get3A_190 : i32 to index
      %get3A_192 = arith.index_cast %add3A_189 : i32 to index
      %get3A_193 = tpu.vector_load %arg4[%get3A_191, %get3A_192] {strides = array<i32>} : memref<2x10112xi32, #tpu.memory_space<vmem>>, vector<16xi32>,
      tpu.vector_store_idx %arg5[%get3A_193], %broadcast_in_dim3A_23 {add = true} : memref<10000xf32, #tpu.memory_space<vmem>>[vector<16xi32>], vector<16xf32>,
      %add3A_194 = arith.constant 96 : i32
      %add3A_195 = arith.addi %add3A_157, %add3A_194 : i32
      %get3A_196 = arith.constant 1 : i32
      %get3A_197 = arith.index_cast %get3A_196 : i32 to index
      %get3A_198 = arith.index_cast %add3A_195 : i32 to index
      %get3A_199 = tpu.vector_load %arg4[%get3A_197, %get3A_198] {strides = array<i32>} : memref<2x10112xi32, #tpu.memory_space<vmem>>, vector<16xi32>,
      tpu.vector_store_idx %arg5[%get3A_199], %broadcast_in_dim3A_23 {add = true} : memref<10000xf32, #tpu.memory_space<vmem>>[vector<16xi32>], vector<16xf32>,
      %add3A_200 = arith.constant 112 : i32
      %add3A_201 = arith.addi %add3A_157, %add3A_200 : i32
      %get3A_202 = arith.constant 1 : i32
      %get3A_203 = arith.index_cast %get3A_202 : i32 to index
      %get3A_204 = arith.index_cast %add3A_201 : i32 to index
      %get3A_205 = tpu.vector_load %arg4[%get3A_203, %get3A_204] {strides = array<i32>} : memref<2x10112xi32, #tpu.memory_space<vmem>>, vector<16xi32>,
      tpu.vector_store_idx %arg5[%get3A_205], %broadcast_in_dim3A_23 {add = true} : memref<10000xf32, #tpu.memory_space<vmem>>[vector<16xi32>], vector<16xf32>,
    }
    %add3A_50 = arith.addi %sub3A, %min3A_7 : i32
    %sub3A_51 = arith.constant 1 : i32
    %sub3A_52 = arith.subi %add3A_50, %sub3A_51 : i32
    %mul3A_53 = arith.constant 128 : i32
    %mul3A_54 = arith.muli %sub3A_52, %mul3A_53 : i32
    %add3A_55 = arith.constant 0 : i32
    %add3A_56 = arith.addi %mul3A_54, %add3A_55 : i32
    %get3A = arith.constant 1 : i32
    %get3A_57 = arith.index_cast %get3A : i32 to index
    %get3A_58 = arith.index_cast %add3A_56 : i32 to index
    %get3A_59 = tpu.vector_load %arg4[%get3A_57, %get3A_58] {strides = array<i32>} : memref<2x10112xi32, #tpu.memory_space<vmem>>, vector<16xi32>,
    tpu.vector_store_idx %arg5[%get3A_59], %broadcast_in_dim3A_23 {add = true} : memref<10000xf32, #tpu.memory_space<vmem>>[vector<16xi32>], vector<16xf32>,
    %add3A_60 = arith.constant 16 : i32
    %add3A_61 = arith.addi %mul3A_54, %add3A_60 : i32
    %get3A_62 = arith.constant 1 : i32
    %get3A_63 = arith.index_cast %get3A_62 : i32 to index
    %get3A_64 = arith.index_cast %add3A_61 : i32 to index
    %get3A_65 = tpu.vector_load %arg4[%get3A_63, %get3A_64] {strides = array<i32>} : memref<2x10112xi32, #tpu.memory_space<vmem>>, vector<16xi32>,
    tpu.vector_store_idx %arg5[%get3A_65], %broadcast_in_dim3A_23 {add = true} : memref<10000xf32, #tpu.memory_space<vmem>>[vector<16xi32>], vector<16xf32>,
    %add3A_66 = arith.constant 32 : i32
    %add3A_67 = arith.addi %mul3A_54, %add3A_66 : i32
    %get3A_68 = arith.constant 1 : i32
    %get3A_69 = arith.index_cast %get3A_68 : i32 to index
    %get3A_70 = arith.index_cast %add3A_67 : i32 to index
    %get3A_71 = tpu.vector_load %arg4[%get3A_69, %get3A_70] {strides = array<i32>} : memref<2x10112xi32, #tpu.memory_space<vmem>>, vector<16xi32>,
    tpu.vector_store_idx %arg5[%get3A_71], %broadcast_in_dim3A_23 {add = true} : memref<10000xf32, #tpu.memory_space<vmem>>[vector<16xi32>], vector<16xf32>,
    %add3A_72 = arith.constant 48 : i32
    %add3A_73 = arith.addi %mul3A_54, %add3A_72 : i32
    %get3A_74 = arith.constant 1 : i32
    %get3A_75 = arith.index_cast %get3A_74 : i32 to index
    %get3A_76 = arith.index_cast %add3A_73 : i32 to index
    %get3A_77 = tpu.vector_load %arg4[%get3A_75, %get3A_76] {strides = array<i32>} : memref<2x10112xi32, #tpu.memory_space<vmem>>, vector<16xi32>,
    tpu.vector_store_idx %arg5[%get3A_77], %broadcast_in_dim3A_23 {add = true} : memref<10000xf32, #tpu.memory_space<vmem>>[vector<16xi32>], vector<16xf32>,
    %add3A_78 = arith.constant 64 : i32
    %add3A_79 = arith.addi %mul3A_54, %add3A_78 : i32
    %get3A_80 = arith.constant 1 : i32
    %get3A_81 = arith.index_cast %get3A_80 : i32 to index
    %get3A_82 = arith.index_cast %add3A_79 : i32 to index
    %get3A_83 = tpu.vector_load %arg4[%get3A_81, %get3A_82] {strides = array<i32>} : memref<2x10112xi32, #tpu.memory_space<vmem>>, vector<16xi32>,
    tpu.vector_store_idx %arg5[%get3A_83], %broadcast_in_dim3A_23 {add = true} : memref<10000xf32, #tpu.memory_space<vmem>>[vector<16xi32>], vector<16xf32>,
    %add3A_84 = arith.constant 80 : i32
    %add3A_85 = arith.addi %mul3A_54, %add3A_84 : i32
    %get3A_86 = arith.constant 1 : i32
    %get3A_87 = arith.index_cast %get3A_86 : i32 to index
    %get3A_88 = arith.index_cast %add3A_85 : i32 to index
    %get3A_89 = tpu.vector_load %arg4[%get3A_87, %get3A_88] {strides = array<i32>} : memref<2x10112xi32, #tpu.memory_space<vmem>>, vector<16xi32>,
    tpu.vector_store_idx %arg5[%get3A_89], %broadcast_in_dim3A_23 {add = true} : memref<10000xf32, #tpu.memory_space<vmem>>[vector<16xi32>], vector<16xf32>,
    %add3A_90 = arith.constant 96 : i32
    %add3A_91 = arith.addi %mul3A_54, %add3A_90 : i32
    %get3A_92 = arith.constant 1 : i32
    %get3A_93 = arith.index_cast %get3A_92 : i32 to index
    %get3A_94 = arith.index_cast %add3A_91 : i32 to index
    %get3A_95 = tpu.vector_load %arg4[%get3A_93, %get3A_94] {strides = array<i32>} : memref<2x10112xi32, #tpu.memory_space<vmem>>, vector<16xi32>,
    tpu.vector_store_idx %arg5[%get3A_95], %broadcast_in_dim3A_23 {add = true} : memref<10000xf32, #tpu.memory_space<vmem>>[vector<16xi32>], vector<16xf32>,
    %add3A_96 = arith.constant 112 : i32
    %add3A_97 = arith.addi %mul3A_54, %add3A_96 : i32
    %get3A_98 = arith.constant 1 : i32
    %get3A_99 = arith.index_cast %get3A_98 : i32 to index
    %get3A_100 = arith.index_cast %add3A_97 : i32 to index
    %get3A_101 = tpu.vector_load %arg4[%get3A_99, %get3A_100] {strides = array<i32>} : memref<2x10112xi32, #tpu.memory_space<vmem>>, vector<16xi32>,
    tpu.vector_store_idx %arg5[%get3A_101], %broadcast_in_dim3A_23 {add = true} : memref<10000xf32, #tpu.memory_space<vmem>>[vector<16xi32>], vector<16xf32>,
    "tpu.region"() ({
      %run_scoped3A = tpu.sem_alloc : memref<!tpu.dma_semaphore, #tpu.memory_space<semaphore_mem>>
      %dma_start3A_102 = arith.constant 0 : i32
      %dma_start3A_103 = tpu.memref_slice %arg3[%add3A, %dma_start3A_102] : memref<32x10000xf32, #tpu.memory_space<hbm>> -> memref<1x10000xf32, #tpu.memory_space<hbm>>
      %dma_start3A_104 = tpu.memref_squeeze %dma_start3A_103 : memref<1x10000xf32, #tpu.memory_space<hbm>> -> memref<10000xf32, #tpu.memory_space<hbm>>
      %dma_start3A_105 = arith.constant 0 : i32
      %dma_start3A_106 = tpu.memref_slice %arg3[%add3A, %dma_start3A_105] : memref<32x10000xf32, #tpu.memory_space<hbm>> -> memref<1x10000xf32, #tpu.memory_space<hbm>>
      %dma_start3A_107 = tpu.memref_squeeze %dma_start3A_106 : memref<1x10000xf32, #tpu.memory_space<hbm>> -> memref<10000xf32, #tpu.memory_space<hbm>>
      tpu.enqueue_dma source(%arg5 : memref<10000xf32, #tpu.memory_space<vmem>>) target(%dma_start3A_107 : memref<10000xf32, #tpu.memory_space<hbm>>) target_semaphore(%run_scoped3A : memref<!tpu.dma_semaphore, #tpu.memory_space<semaphore_mem>>)
      %dma_wait3A_108 = arith.constant 0 : i32
      %dma_wait3A_109 = tpu.memref_slice %arg3[%add3A, %dma_wait3A_108] : memref<32x10000xf32, #tpu.memory_space<hbm>> -> memref<1x10000xf32, #tpu.memory_space<hbm>>
      %dma_wait3A_110 = tpu.memref_squeeze %dma_wait3A_109 : memref<1x10000xf32, #tpu.memory_space<hbm>> -> memref<10000xf32, #tpu.memory_space<hbm>>
      %dma_wait3A_111 = arith.constant 0 : i32
      %dma_wait3A_112 = tpu.memref_slice %arg3[%add3A, %dma_wait3A_111] : memref<32x10000xf32, #tpu.memory_space<hbm>> -> memref<1x10000xf32, #tpu.memory_space<hbm>>
      %dma_wait3A_113 = tpu.memref_squeeze %dma_wait3A_112 : memref<1x10000xf32, #tpu.memory_space<hbm>> -> memref<10000xf32, #tpu.memory_space<hbm>>
      tpu.wait_dma2 semaphore(%run_scoped3A : memref<!tpu.dma_semaphore, #tpu.memory_space<semaphore_mem>>) src(%arg5 : memref<10000xf32, #tpu.memory_space<vmem>>) dst(%dma_wait3A_113 : memref<10000xf32, #tpu.memory_space<hbm>>)
      tpu.yield
    }) : () -> ()
    return
  }
}

module attributes {stable_mosaic.version = 14 : i64} {
  func.func @body(%arg0: memref<10000x128xbf16, #tpu.memory_space<vmem>>, %arg1: memref<32x10000xf32, #tpu.memory_space<vmem>>, %arg2: memref<128x256xf32, #tpu.memory_space<vmem>>, %arg3: memref<1x128xf32, #tpu.memory_space<vmem>>, %arg4: memref<10000x128xf32, #tpu.memory_space<vmem>>) attributes {dimension_semantics = [], scalar_prefetch = 0 : i64, scratch_operands = 0 : i64, tpu.core_type = #tpu.core_type<tc>} {
    %get3A = arith.constant 0 : index
    %get3A_0 = arith.constant 0 : index
    %get3A_1 = vector.load %arg0[%get3A, %get3A_0] : memref<10000x128xbf16, #tpu.memory_space<vmem>>, vector<10000x128xbf16>
    %get3A_2 = arith.constant 0 : index
    %get3A_3 = arith.constant 0 : index
    %get3A_4 = vector.load %arg1[%get3A_2, %get3A_3] : memref<32x10000xf32, #tpu.memory_space<vmem>>, vector<32x10000xf32>
    %reduce_sum3A = arith.constant dense<0.000000e+00> : vector<10000xf32>
    %reduce_sum3A_5 = vector.multi_reduction <add>, %get3A_4, %reduce_sum3A [0] : vector<32x10000xf32> to vector<10000xf32>
    %broadcast_in_dim3A = vector.shape_cast %reduce_sum3A_5 : vector<10000xf32> to vector<1x10000xf32>
    %convert_element_type3A = arith.truncf %broadcast_in_dim3A : vector<1x10000xf32> to vector<1x10000xbf16>
    %dot_general3A = arith.constant dense<0.000000e+00> : vector<1x128xf32>
    %dot_general3A_6 = tpu.matmul %convert_element_type3A, %get3A_1, %dot_general3A {dimension_numbers = #tpu.dot_dimension_numbers<[1], [0], [0], [1], [0, 0, 1, 1], [], []>, transpose_lhs_hint = false} : vector<1x10000xbf16>, vector<10000x128xbf16>, vector<1x128xf32> -> vector<1x128xf32>
    %mul3A = arith.constant 3.125000e-06 : f32
    %mul3A_7 = vector.broadcast %mul3A : f32 to vector<1x128xf32>
    %mul3A_8 = arith.mulf %dot_general3A_6, %mul3A_7 : vector<1x128xf32>
    %get3A_9 = arith.constant 0 : index
    %get3A_10 = arith.constant 0 : index
    %get3A_11 = vector.load %arg2[%get3A_9, %get3A_10] : memref<128x256xf32, #tpu.memory_space<vmem>>, vector<128x128xf32>
    %get3A_12 = arith.constant 0 : index
    %get3A_13 = arith.constant 128 : index
    %get3A_14 = vector.load %arg2[%get3A_12, %get3A_13] : memref<128x256xf32, #tpu.memory_space<vmem>>, vector<128x128xf32>
    %dot_general3A_15 = arith.constant dense<0.000000e+00> : vector<1x128xf32>
    %dot_general3A_16 = tpu.matmul %mul3A_8, %get3A_14, %dot_general3A_15 {dimension_numbers = #tpu.dot_dimension_numbers<[1], [1], [0], [0], [0, 0, 1, 0], [], []>, transpose_lhs_hint = false} : vector<1x128xf32>, vector<128x128xf32>, vector<1x128xf32> -> vector<1x128xf32>
    %get3A_17 = arith.constant 0 : index
    %get3A_18 = arith.constant 0 : index
    %get3A_19 = vector.load %arg3[%get3A_17, %get3A_18] : memref<1x128xf32, #tpu.memory_space<vmem>>, vector<1x128xf32>
    %add3A = arith.addf %dot_general3A_16, %get3A_19 : vector<1x128xf32>
    %convert_element_type3A_20 = arith.truncf %get3A_11 : vector<128x128xf32> to vector<128x128xbf16>
    %dot_general3A_21 = arith.constant dense<0.000000e+00> : vector<10000x128xf32>
    %dot_general3A_22 = tpu.matmul %get3A_1, %convert_element_type3A_20, %dot_general3A_21 {dimension_numbers = #tpu.dot_dimension_numbers<[1], [1], [0], [0], [0, 0, 1, 0], [], []>, transpose_lhs_hint = false} : vector<10000x128xbf16>, vector<128x128xbf16>, vector<10000x128xf32> -> vector<10000x128xf32>
    %add3A_23 = vector.broadcast %add3A : vector<1x128xf32> to vector<10000x128xf32>
    %add3A_24 = arith.addf %dot_general3A_22, %add3A_23 : vector<10000x128xf32>
    %swap3A = arith.constant 0 : index
    %swap3A_25 = arith.constant 0 : index
    %swap3A_26 = vector.load %arg4[%swap3A, %swap3A_25] : memref<10000x128xf32, #tpu.memory_space<vmem>>, vector<10000x128xf32>
    tpu.vector_store %arg4[%swap3A, %swap3A_25], %add3A_24 {strides = array<i32>} : memref<10000x128xf32, #tpu.memory_space<vmem>>, vector<10000x128xf32>,
    return
  }
}

module attributes {stable_mosaic.version = 14 : i64} {
  func.func @body(%arg0: memref<10000x128xf32, #tpu.memory_space<vmem>>, %arg1: memref<128x256xf32, #tpu.memory_space<vmem>>, %arg2: memref<1x128xf32, #tpu.memory_space<vmem>>, %arg3: memref<1x128xf32, #tpu.memory_space<vmem>>, %arg4: memref<10000x128xbf16, #tpu.memory_space<vmem>>) attributes {dimension_semantics = [], scalar_prefetch = 0 : i64, scratch_operands = 0 : i64, tpu.core_type = #tpu.core_type<tc>} {
    %get3A = arith.constant 0 : index
    %get3A_0 = arith.constant 0 : index
    %get3A_1 = vector.load %arg0[%get3A, %get3A_0] : memref<10000x128xf32, #tpu.memory_space<vmem>>, vector<10000x128xf32>
    %convert_element_type3A = arith.truncf %get3A_1 : vector<10000x128xf32> to vector<10000x128xbf16>
    %get3A_2 = arith.constant 0 : index
    %get3A_3 = arith.constant 0 : index
    %get3A_4 = vector.load %arg1[%get3A_2, %get3A_3] : memref<128x256xf32, #tpu.memory_space<vmem>>, vector<128x128xf32>
    %convert_element_type3A_5 = arith.truncf %get3A_4 : vector<128x128xf32> to vector<128x128xbf16>
    %dot_general3A = arith.constant dense<0.000000e+00> : vector<10000x128xf32>
    %dot_general3A_6 = tpu.matmul %convert_element_type3A, %convert_element_type3A_5, %dot_general3A {dimension_numbers = #tpu.dot_dimension_numbers<[1], [1], [0], [0], [0, 0, 1, 0], [], []>, transpose_lhs_hint = false} : vector<10000x128xbf16>, vector<128x128xbf16>, vector<10000x128xf32> -> vector<10000x128xf32>
    %reduce_sum3A = arith.constant dense<0.000000e+00> : vector<128xf32>
    %reduce_sum3A_7 = vector.multi_reduction <add>, %dot_general3A_6, %reduce_sum3A [0] : vector<10000x128xf32> to vector<128xf32>
    %broadcast_in_dim3A = vector.shape_cast %reduce_sum3A_7 : vector<128xf32> to vector<1x128xf32>
    %div3A = arith.constant 1.000000e+04 : f32
    %div3A_8 = vector.broadcast %div3A : f32 to vector<1x128xf32>
    %div3A_9 = arith.divf %broadcast_in_dim3A, %div3A_8 : vector<1x128xf32>
    %mul3A = arith.mulf %dot_general3A_6, %dot_general3A_6 : vector<10000x128xf32>
    %reduce_sum3A_10 = arith.constant dense<0.000000e+00> : vector<128xf32>
    %reduce_sum3A_11 = vector.multi_reduction <add>, %mul3A, %reduce_sum3A_10 [0] : vector<10000x128xf32> to vector<128xf32>
    %broadcast_in_dim3A_12 = vector.shape_cast %reduce_sum3A_11 : vector<128xf32> to vector<1x128xf32>
    %div3A_13 = arith.constant 1.000000e+04 : f32
    %div3A_14 = vector.broadcast %div3A_13 : f32 to vector<1x128xf32>
    %div3A_15 = arith.divf %broadcast_in_dim3A_12, %div3A_14 : vector<1x128xf32>
    %mul3A_16 = arith.mulf %div3A_9, %div3A_9 : vector<1x128xf32>
    %sub3A = arith.subf %div3A_15, %mul3A_16 : vector<1x128xf32>
    %add3A = arith.constant 9.99999974E-6 : f32
    %add3A_17 = vector.broadcast %add3A : f32 to vector<1x128xf32>
    %add3A_18 = arith.addf %sub3A, %add3A_17 : vector<1x128xf32>
    %rsqrt3A = math.rsqrt %add3A_18 : vector<1x128xf32>
    %sub3A_19 = vector.broadcast %div3A_9 : vector<1x128xf32> to vector<10000x128xf32>
    %sub3A_20 = arith.subf %dot_general3A_6, %sub3A_19 : vector<10000x128xf32>
    %mul3A_21 = vector.broadcast %rsqrt3A : vector<1x128xf32> to vector<10000x128xf32>
    %mul3A_22 = arith.mulf %sub3A_20, %mul3A_21 : vector<10000x128xf32>
    %get3A_23 = arith.constant 0 : index
    %get3A_24 = arith.constant 0 : index
    %get3A_25 = vector.load %arg2[%get3A_23, %get3A_24] : memref<1x128xf32, #tpu.memory_space<vmem>>, vector<1x128xf32>
    %mul3A_26 = vector.broadcast %get3A_25 : vector<1x128xf32> to vector<10000x128xf32>
    %mul3A_27 = arith.mulf %mul3A_22, %mul3A_26 : vector<10000x128xf32>
    %get3A_28 = arith.constant 0 : index
    %get3A_29 = arith.constant 0 : index
    %get3A_30 = vector.load %arg3[%get3A_28, %get3A_29] : memref<1x128xf32, #tpu.memory_space<vmem>>, vector<1x128xf32>
    %add3A_31 = vector.broadcast %get3A_30 : vector<1x128xf32> to vector<10000x128xf32>
    %add3A_32 = arith.addf %mul3A_27, %add3A_31 : vector<10000x128xf32>
    %max3A = arith.constant 0.000000e+00 : f32
    %max3A_33 = vector.broadcast %max3A : f32 to vector<10000x128xf32>
    %max3A_34 = arith.maximumf %add3A_32, %max3A_33 : vector<10000x128xf32>
    %convert_element_type3A_35 = arith.truncf %max3A_34 : vector<10000x128xf32> to vector<10000x128xbf16>
    %swap3A = arith.constant 0 : index
    %swap3A_36 = arith.constant 0 : index
    %swap3A_37 = vector.load %arg4[%swap3A, %swap3A_36] : memref<10000x128xbf16, #tpu.memory_space<vmem>>, vector<10000x128xbf16>
    tpu.vector_store %arg4[%swap3A, %swap3A_36], %convert_element_type3A_35 {strides = array<i32>} : memref<10000x128xbf16, #tpu.memory_space<vmem>>, vector<10000x128xbf16>,
    return
  }
}

</mosaic_0001>

<sc_bundles>
// kernel: kernel.5.cloned.1.call-start
scs
__scs_entry_jumppad:
0x0: {  	(pc) =	sbr.rel $0x88, $3  }
0x1: {  	(tag) =	ssettag $0x0;
	lr =	simm.s32 $0x1  }
0x2: {  	[smem:$0x3F9A] =	sst lr;
	_ =	strace $0xD0000000  }
0x3: {  	_ = 	snop  }
0x4: {  	_ = 	snop  }
0x5: {  	_ = 	snop  }
0x6: {  	_ = 	snop  }
0x7: {  	_ = 	snop  }
__scs_overlays_trampoline_lowered:
0x8: {  	[smem:$0x3FA9] =	sst s0  }
0x9: {  	[smem:$0x3FAA] =	sst s1  }
0xa: {  	[smem:$0x3FAB] =	sst s2  }
0xb: {  	[smem:$0x3FAC] =	sst s3  }
0xc: {  	[smem:$0x3FAD] =	sst s4  }
0xd: {  	[smem:$0x3FAE] =	sst s5  }
0xe: {  	[smem:$0x3FAF] =	sst s6  }
0xf: {  	[smem:$0x3FB0] =	sst s7  }
0x10: {  	[smem:$0x3FB1] =	sst s8  }
0x11: {  	[smem:$0x3FB2] =	sst s9;
	s0 =	simm.s32 @!p0 $0x0  }
0x12: {  	s1 =	sld [smem:$0x3F98];
	s0 =	simm.s32 @p0 $0x1  }
0x13: {  	[smem:$0x3FB3] =	sst s0;
	s0 =	simm.s32 @!p1 $0x0  }
0x14: {  	s2 =	sld [smem:$0x3F97];
	s0 =	simm.s32 @p1 $0x1  }
0x15: {  	[smem:$0x3FB4] =	sst s0;
	s0 =	simm.s32 @!p2 $0x0  }
0x16: {  	s3 =	sld [smem:$0x3FDB];
	s0 =	simm.s32 @p2 $0x1  }
0x17: {  	s4 =	simm.s32 $0x1BF5;
	[smem:$0x3FB6] =	sst s0  }
0x18: {  	s0 =	sld [smem:$0x3F99];
	_ =	swait.ge [sflag:s4], $0x0  }
0x19: {  	s7 =	sld [smem:$0x3F9A]  }
0x1a: {  	s8 =	sadd.s32 $0xFFFFE003, lr  }
0x1b: {  	s9 =	sadd.s32 $0xFFFFFEF7, lr;
	s5 =	simm.s32 $0xFFFFFFFF;
	p2 =	slt.u32 s8, $0xFFFFF086  }
0x1c: {  	p1 =	slt.u32 s9, $0xF7A;
	s5 =	simm.s32 @!p2 $0x0  }
0x1d: {  	s5 =	simm.s32 @p1 $0x1;
	p0 =	seq.s32 s7, s2  }
0x1e: {  	s7 =	smul.u32 @!p0 $0xF7A, s2;
	p2 =	seq.s32 @!p0 s5, $0x0  }
0x1f: {  	s9 =	smul.u32 $0xF7A, s1;
	s8 =	simm.s32 @!p0 $0x1BF5;
	p2 =	por !p2, p0  }
0x20: {  	[sflag:s8] =	ssyncset.s32 @!p0 $0xFFFFF086;
	s6 =	sadd.s32 @!p0 s3, s7;
	s7 =	simm.s32 @!p0 $0x108  }
0x21: {  	s3 =	sadd.s32 s3, s9;
	s6 =	sadd.s32 @!p0 $0x88, s6;
	s7 =	simm.s32 @p2 $0x1082  }
0x22: {  	[simem:s7], [sflag:s8] =	dma.local @!p0 [hbm:s6], $0xF7A  }
0x23: {  	s9 =	sor.u32 $0xD0000000, s2;
	s6 =	simm.s32 $0x108;
	_ =	swait.ge @!p0 [sflag:s8], $0x0  }
0x24: {  	s3 =	sadd.s32 $0x88, s3;
	s6 =	simm.s32 @!p1 $0x1082;
	[sflag:s4] =	ssyncset.s32 $0xFFFFF086  }
0x25: {  	[simem:s6], [sflag:s4] =	dma.local [hbm:s3], $0xF7A  }
0x26: {  	[smem:$0x3F9A] =	sst s1;
	(tag) =	ssettag s2;
	_ =	strace s9  }
0x27: {  	s1 =	sld [smem:$0x3FAA]  }
0x28: {  	s2 =	sld [smem:$0x3FAB]  }
0x29: {  	s4 =	sld [smem:$0x3FAD]  }
0x2a: {  	p0 =	seq.s32 s5, $0x0;
	s5 =	sld [smem:$0x3FAE]  }
0x2b: {  	s6 =	sld [smem:$0x3FAF]  }
0x2c: {  	s7 =	sld [smem:$0x3FB0]  }
0x2d: {  	s3 =	simm.s32 $0x108;
	s8 =	sld [smem:$0x3FB1]  }
0x2e: {  	s3 =	simm.s32 @!p0 $0x1082;
	s9 =	sld [smem:$0x3FB2]  }
0x2f: {  	lr =	sadd.s32 s0, s3;
	s0 =	sld [smem:$0x3FA9]  }
0x30: {  	s3 =	sld [smem:$0x3FAC]  }
0x31: {  	[smem:$0x3FB5] =	sst s10  }
0x32: {  	s10 =	sld [smem:$0x3FB3];
	_ =	sdelay $0x3  }
0x33: {  	p0 =	seq.s32 s10, $0x1;
	s10 =	sld [smem:$0x3FB5];
	_ =	sdelay $0x3  }
0x34: {  	[smem:$0x3FB5] =	sst s10  }
0x35: {  	s10 =	sld [smem:$0x3FB4];
	_ =	sdelay $0x3  }
0x36: {  	p1 =	seq.s32 s10, $0x1;
	s10 =	sld [smem:$0x3FB5];
	_ =	sdelay $0x3  }
0x37: {  	[smem:$0x3FB5] =	sst s10  }
0x38: {  	s10 =	sld [smem:$0x3FB6]  }
0x39: {  	_ = 	snop;
	(pc) =	sbr.ind lr, $3  }
0x3a: {  	_ = 	snop  }
0x3b: {  	_ = 	snop  }
0x3c: {  	p2 =	seq.s32 s10, $0x1;
	s10 =	sld [smem:$0x3FB5]  }
0x3d: {  	_ =	shalt  }
0x3e: {  	_ =	shalt  }
0x3f: {  	_ =	shalt  }
0x40: {  	_ =	shalt  }
0x41: {  	_ =	shalt  }
0x42: {  	_ =	shalt  }
0x43: {  	_ =	shalt  }
0x44: {  	_ =	shalt  }
0x45: {  	_ =	shalt  }
0x46: {  	_ =	shalt  }
0x47: {  	_ =	shalt  }
0x48: {  	_ =	shalt  }
0x49: {  	_ =	shalt  }
0x4a: {  	_ =	shalt  }
0x4b: {  	_ =	shalt  }
0x4c: {  	_ =	shalt  }
0x4d: {  	_ =	shalt  }
0x4e: {  	_ =	shalt  }
0x4f: {  	_ =	shalt  }
0x50: {  	_ =	shalt  }
0x51: {  	_ =	shalt  }
0x52: {  	_ =	shalt  }
0x53: {  	_ =	shalt  }
0x54: {  	_ =	shalt  }
0x55: {  	_ =	shalt  }
0x56: {  	_ =	shalt  }
0x57: {  	_ =	shalt  }
0x58: {  	_ =	shalt  }
0x59: {  	_ =	shalt  }
0x5a: {  	_ =	shalt  }
0x5b: {  	_ =	shalt  }
0x5c: {  	_ =	shalt  }
0x5d: {  	_ =	shalt  }
0x5e: {  	_ =	shalt  }
0x5f: {  	_ =	shalt  }
0x60: {  	_ =	shalt  }
0x61: {  	_ =	shalt  }
0x62: {  	_ =	shalt  }
0x63: {  	_ =	shalt  }
0x64: {  	_ =	shalt  }
0x65: {  	_ =	shalt  }
0x66: {  	_ =	shalt  }
0x67: {  	_ =	shalt  }
0x68: {  	_ =	shalt  }
0x69: {  	_ =	shalt  }
0x6a: {  	_ =	shalt  }
0x6b: {  	_ =	shalt  }
0x6c: {  	_ =	shalt  }
0x6d: {  	_ =	shalt  }
0x6e: {  	_ =	shalt  }
0x6f: {  	_ =	shalt  }
0x70: {  	_ =	shalt  }
0x71: {  	_ =	shalt  }
0x72: {  	_ =	shalt  }
0x73: {  	_ =	shalt  }
0x74: {  	_ =	shalt  }
0x75: {  	_ =	shalt  }
0x76: {  	_ =	shalt  }
0x77: {  	_ =	shalt  }
0x78: {  	_ =	shalt  }
0x79: {  	_ =	shalt  }
0x7a: {  	_ =	shalt  }
0x7b: {  	_ =	shalt  }
0x7c: {  	_ =	shalt  }
0x7d: {  	_ =	shalt  }
0x7e: {  	_ =	shalt  }
0x7f: {  	_ =	shalt  }
0x80: {  	_ =	shalt  }
0x81: {  	_ =	shalt  }
0x82: {  	_ =	shalt  }
0x83: {  	_ =	shalt  }
0x84: {  	_ =	shalt  }
0x85: {  	_ =	shalt  }
0x86: {  	_ =	shalt  }
0x87: {  	_ =	shalt  }
.Lfunc_end0:
.L_simem_size_0:
called_computation_lowered:
.L_overlay_start_0:
0x88: {  	s2 =	sld [smem:$0x3FD9]  }
0x89: {  	s3 =	sld [smem:$0x3FFE];
	_ =	sdelay $0x1  }
0x8a: {  	s1 =	srdreg.scid  }
0x8b: {  	s0 =	sand.u32 $0x1, s1  }
0x8c: {  	s18 =	sshll.u32 s0, $0xA;
	s2 =	sadd.s32 s3, s2  }
0x8d: {  	s2 =	sadd.s32 s2, s18  }
0x8e: {  	[smem:$0x3FC1] =	sst s2  }
0x8f: {  	_ = 	snop  }
0x90: {  	s2 =	sld [smem:$0x3FC8]  }
0x91: {  	s19 =	sld [smem:$0x3FD0];
	(tm) =	ssettm $0x1  }
0x92: {  	s4 =	sld [smem:$0x3FFB];
	_ =	sdelay $0x3  }
0x93: {  	_ =	strace s4  }
0x94: {  	s4 =	sld [smem:$0x3FFC];
	_ =	sdelay $0x3  }
0x95: {  	_ =	strace s4  }
0x96: {  	s4 =	sld [smem:$0x3FFD];
	_ =	sdelay $0x3  }
0x97: {  	_ =	strace s4  }
0x98: {  	_ =	strace $0x8FFFFFFF  }
0x99: {  	s20 =	sld [smem:$0x3FDB];
	_ =	sdelay $0x1  }
0x9a: {  	s5 =	simm.s32 $_scs_section_size  }
0x9b: {  	s6 =	simm.s32 $_size__tile_overlayer_lowered;
	s7 =	simm.s32 $_tile_overlayer_lowered  }
0x9c: {  	s23 =	simm.s32 $0x1BFF;
	s22 =	sshll.u32 s7, $0x1;
	s4 =	sadd.s32 s5, s20  }
0x9d: {  	s8 =	simm.s32 $0x0;
	s21 =	sshll.u32 s6, $0x1;
	s6 =	sadd.s32 s22, s4  }
0x9e: {  	[timem:s8], [sflag:s23] =	dma.local [hbm:s6], s21  }
0x9f: {  	_ =	swait.ge [sflag:s23], s21  }
0xa0: {  	s5 =	ssub.s32 $0x0, s21;
	[sflag:s23] =	ssyncset.done $0x0  }
0xa1: {  	[sflag:s23] =	ssyncadd.s32 s5;
	_ =	sdelay $0x1  }
0xa2: {  	s24 =	simm.s32 $0x1B8B  }
0xa3: {  	_ =	swait.ge [sflag:s24], $0x1  }
0xa4: {  	[sflag:s24] =	ssyncset.done $0x0  }
0xa5: {  	s25 =	simm.s32 $0x1B8E;
	[sflag:s24] =	ssyncadd.s32 $0xFFFFFFFF  }
0xa6: {  	s26 =	simm.s32 $execute0_lowered;
	[smem:$0x3FD2] =	sst s25  }
0xa7: {  	s5 =	sshll.u32 s26, $0x1;
	_ =	strace $0x80000046;
	[dreg:$0x1] =	wrdreg $0xFFFFFFFF  }
0xa8: {  	s28 =	simm.s32 $_size_execute0_lowered;
	s4 =	sadd.s32 s4, s5;
	[dreg:$0x0] =	wrdreg $0x0  }
0xa9: {  	s5 =	sshll.u32 s28, $0x1;
	[dreg:$0x2] =	wrdreg s4  }
0xaa: {  	[dreg:$0x3] =	wrdreg s5  }
0xab: {  	[dreg:$0x4] =	wrdreg $0xC0  }
0xac: {  	_ =	task [dreg:s8], $0x5FFFF  }
0xad: {  	[dreg:$0x1] =	wrdreg $0xFFFFFFFF  }
0xae: {  	[dreg:$0x0] =	wrdreg $0x60  }
0xaf: {  	[dreg:$0x2] =	wrdreg s2  }
0xb0: {  	[dreg:$0x3] =	wrdreg s19  }
0xb1: {  	[dreg:$0x4] =	wrdreg $0x9  }
0xb2: {  	_ =	task.clear_ibuf [dreg:s8], $0x5FFFF;
	_ =	strace $0x90000046  }
0xb3: {  	s29 =	simm.s32 $0x9;
	_ =	strace $0x80000048  }
0xb4: {  	_ =	swait.ge [sflag:s29], $0x1  }
0xb5: {  	[sflag:s29] =	ssyncadd.s32 $0xFFFFFFFF  }
0xb6: {  	_ =	strace $0x90000048  }
0xb7: {  	_ =	sfence  }
0xb8: {  	s30 =	sld [smem:$0x0];
	_ =	sdelay $0x2  }
0xb9: {  	s31 =	sshll.u32 s1, $0xD;
	s1 =	sshrl.u32 s1, $0x2  }
0xba: {  	s3 =	sand.u32 $0x4000, s31;
	s1 =	sadd.s32 s1, s30  }
0xbb: {  	s0 =	sor.u32 s3, s0;
	s1 =	sshll.u32 s1, $0x11  }
0xbc: {  	s0 =	sor.u32 s1, s0  }
0xbd: {  	s0 =	sadd.s32 $0x8F2B, s0  }
0xbe: {  	[sflag:s0] =	ssyncadd.remote.s32 $0x1  }
0xbf: {  	_ =	sfence.sel $0xFFFF  }
0xc0: {  	[dreg:$0x0] =	wrdreg $0xFFFFFFFF;
	(pc) =	sbr.abs _section_cstart, $3  }
0xc1: {  	[dreg:$0x1] =	wrdreg $0xFFFFFFFF  }
0xc2: {  	_ =	task.clear_ibuf [dreg:s8], $0x2FFFF;
	_ =	strace $0x9FFFFFFF  }
0xc3: {  	(tm) =	ssettm $0x7FFFFFFF  }
tec
execute0_lowered:
.L_overlay_start_1:
0x0: {  	(tag) =	ssettag $0x1  }
0x1: {  	s3 =	rddreg [dreg:$0x0]  }
0x2: {  	s1 =	srdreg.scid;
	s0 =	stileid.u32  }
0x3: {  	s5 =	rddreg [dreg:$0x1];
	s2 =	simm.s32 $0x0;
	s14 =	simm.s32 $0x0  }
0x4: {  	s4 =	sand.u32 $0x1, s1;
	s6 =	sshll.u32 s0, $0x1;
	s13 =	smul.u32 $0xFFFFFF62, s0  }
0x5: {  	s1 =	rddreg [dreg:$0x2];
	s10 =	sshrl.u32 s0, $0x2;
	s29 =	smul.u32 $0x9E, s0  }
0x6: {  	[smem:$0x7FF] =	sst s2;
	s6 =	sor.u32 s4, s6;
	s10 =	smul.u32 $0x13C00, s10  }
0x7: {  	s7 =	ssub.s32 $0x2, s4;
	_ =	strace $0x80000047;
	s12 =	smul.u32 $0xFFFFFFB1, s4  }
0x8: {  	s8 =	smul.u32 $0x4F, s6;
	s9 =	sshrl.u32 s7, $0x1;
	s6 =	sshll.u32 s6, $0x7  }
0x9: {  	s30 =	smul.u32 $0x4F, s4;
	s7 =	ssub.s32 s7, s9;
	s6 =	sand.u32 $0x380, s6  }
0xa: {  	s31 =	sadd.s32 s13, s12;
	s12 =	simm.s32 $0x400;
	s28 =	smin.u32 s8, $0x975  }
0xb: {  	s13 =	simm.s32 $0x2;
	s11 =	ssub.s32 s8, s28;
	s8 =	ssub.s32 $0x9C4, s8  }
0xc: {  	s6 =	sor.u32 s10, s6;
	s10 =	simm.s32 $0x4F00;
	s8 =	smin.u32 s8, $0x4F  }
0xd: {  	s9 =	sshll.u32 s28, $0x5;
	s6 =	sshrl.u32 s6, $0x3;
	s8 =	sadd.s32 s8, s11  }
0xe: {  	s3 =	sadd.s32 s3, s9;
	s9 =	sadd.s32 s30, s29;
	s8 =	sshll.u32 s8, $0xA  }
0xf: {  	s5 =	sadd.s32 s5, s6;
	s4 =	sshra.s32 s8, $0x2;
	s8 =	sadd.s32 $0x9C4, s31  }
0x10: {  	s6 =	smax.u32 s7, $0x1;
	s9 =	smax.u32 s9, $0x975;
	s8 =	smin.u32 s8, $0x4F  }
0x11: {  	s11 =	simm.s32 $0x80;
	s9 =	sshll.u32 s9, $0x8;
	s8 =	sshll.u32 s8, $0xA  }
0x12: {  	v0 =	vimm.f32 $0.0e+00;
	v1 =	vimm.f32 $1.000000000e+00;
	s7 =	sand.u32 $0x1F800, s8;
	s8 =	sadd.s32 $0xFFF68C80, s9;
	s9 =	simm.s32 $0x1  }
.LBB2_1:
0x13: {  	[tilespmem:s2], [sflag:$0x1] =	stream.linear.gather [hbm4b:s3+s2], $0x4F00, $0x38;
	[tilespmem:$0x7680] =	vst v63  }
0x14: {  	s15 =	simm.s32 $0x4FC0  }
0x15: {  	[tilespmem:s15+$0xFFFFFF40] =	vst v0  }
0x16: {  	[tilespmem:s15+$0xFFFFFFB0] =	vst v0  }
0x17: {  	[tilespmem:s15+$0xFFFFFFA0] =	vst v0  }
0x18: {  	[tilespmem:s15+$0xFFFFFF90] =	vst v0  }
0x19: {  	[tilespmem:s15+$0xFFFFFF80] =	vst v0  }
0x1a: {  	[tilespmem:s15+$0xFFFFFF70] =	vst v0  }
0x1b: {  	[tilespmem:s15+$0xFFFFFF60] =	vst v0  }
0x1c: {  	s16 =	sand.u32 $0x3FF0, s2;
	[tilespmem:s15+$0xFFFFFF50] =	vst v0  }
0x1d: {  	[tilespmem:s16+$0x4F80] =	vst v0  }
0x1e: {  	[tilespmem:s15+$0x30] =	vst v0  }
0x1f: {  	[tilespmem:s15+$0x20] =	vst v0  }
0x20: {  	s17 =	simm.s32 $0x190;
	s18 =	simm.s32 $0x4FC0;
	[tilespmem:s15+$0x10] =	vst v0  }
.LBB2_2:
0x21: {  	p0 =	sne.s32 s17, $0x2580  }
0x22: {  	[tilespmem:s15+$0x0] =	vst v0;
	s18 =	sadd.s32 $0x190, s18;
	s19 =	smov.u32 s17;
	s17 =	sadd.s32 $0x190, s17  }
0x23: {  	[tilespmem:s15+$0xFFFFFFF0] =	vst v0  }
0x24: {  	[tilespmem:s15+$0xFFFFFFD0] =	vst v0  }
0x25: {  	[tilespmem:s15+$0xFFFFFFE0] =	vst v0  }
0x26: {  	[tilespmem:s16+$0x5000] =	vst v0  }
0x27: {  	[tilespmem:s15+$0x50] =	vst v0  }
0x28: {  	[tilespmem:s15+$0xB0] =	vst v0  }
0x29: {  	[tilespmem:s15+$0xA0] =	vst v0  }
0x2a: {  	[tilespmem:s15+$0x90] =	vst v0  }
0x2b: {  	[tilespmem:s15+$0x80] =	vst v0  }
0x2c: {  	[tilespmem:s15+$0x60] =	vst v0  }
0x2d: {  	[tilespmem:s15+$0x70] =	vst v0;
	s15 =	smov.u32 s18  }
0x2e: {  	[tilespmem:s16+$0x5080] =	vst v0  }
0x2f: {  	[tilespmem:s18+$0xFFFFFF40] =	vst v0  }
0x30: {  	[tilespmem:s18+$0xFFFFFFB0] =	vst v0  }
0x31: {  	[tilespmem:s18+$0xFFFFFFA0] =	vst v0  }
0x32: {  	[tilespmem:s18+$0xFFFFFF90] =	vst v0  }
0x33: {  	[tilespmem:s18+$0xFFFFFF80] =	vst v0  }
0x34: {  	[tilespmem:s18+$0xFFFFFF70] =	vst v0  }
0x35: {  	[tilespmem:s18+$0xFFFFFF60] =	vst v0  }
.Ltmp0:
0x36: {  	s16 =	sand.u32 $0x3FF0, s19;
	[tilespmem:s18+$0xFFFFFF50] =	vst v0;
	(pc) =	sbr.rel @p0 .LBB2_2-.Ltmp0, $4  }
0x37: {  	[tilespmem:s16+$0x4F80] =	vst v0  }
0x38: {  	[tilespmem:s18+$0x30] =	vst v0  }
0x39: {  	[tilespmem:s18+$0x20] =	vst v0  }
0x3a: {  	[tilespmem:s18+$0x10] =	vst v0  }
0x3b: {  	[tilespmem:s15+$0x0] =	vst v0  }
0x3c: {  	[tilespmem:s15+$0xFFFFFFF0] =	vst v0  }
0x3d: {  	[tilespmem:s15+$0xFFFFFFD0] =	vst v0  }
0x3e: {  	[tilespmem:s15+$0xFFFFFFE0] =	vst v0  }
0x3f: {  	[tilespmem:s16+$0x5000] =	vst v0  }
0x40: {  	[tilespmem:s15+$0x50] =	vst v0  }
0x41: {  	[tilespmem:s15+$0xB0] =	vst v0  }
0x42: {  	[tilespmem:s15+$0xA0] =	vst v0  }
0x43: {  	[tilespmem:s15+$0x90] =	vst v0  }
0x44: {  	[tilespmem:s15+$0x80] =	vst v0  }
0x45: {  	[tilespmem:s15+$0x60] =	vst v0  }
0x46: {  	[tilespmem:s15+$0x70] =	vst v0  }
0x47: {  	[tilespmem:s16+$0x5080] =	vst v0  }
0x48: {  	_ =	swait.ge [sflag:s9], $0x4F00  }
0x49: {  	[sflag:s9] =	ssyncset.done $0x0  }
0x4a: {  	s15 =	smov.u32 s8;
	s16 =	smov.u32 s7;
	[sflag:s9] =	ssyncadd.s32 $0xFFFFB100  }
.LBB2_4:
0x4b: {  	v2 =	vld [tilespmem:s15+$0xFFFFFF00];
	_ =	sdelay $0x7  }
0x4c: {  	[tilespmem:v2+s10+$0x0] =	vst.idx.add.f32.msk $0xffff, v1  }
0x4d: {  	v2 =	vld [tilespmem:s15+$0xFFFFFF10];
	_ =	sdelay $0x7  }
0x4e: {  	[tilespmem:v2+s10+$0x0] =	vst.idx.add.f32.msk $0xffff, v1  }
0x4f: {  	v2 =	vld [tilespmem:s15+$0xFFFFFF20];
	_ =	sdelay $0x7  }
0x50: {  	[tilespmem:v2+s10+$0x0] =	vst.idx.add.f32.msk $0xffff, v1  }
0x51: {  	v2 =	vld [tilespmem:s15+$0xFFFFFF30];
	_ =	sdelay $0x7  }
0x52: {  	[tilespmem:v2+s10+$0x0] =	vst.idx.add.f32.msk $0xffff, v1  }
0x53: {  	v2 =	vld [tilespmem:s15+$0xFFFFFF40];
	_ =	sdelay $0x7  }
0x54: {  	[tilespmem:v2+s10+$0x0] =	vst.idx.add.f32.msk $0xffff, v1  }
0x55: {  	v2 =	vld [tilespmem:s15+$0xFFFFFF50];
	_ =	sdelay $0x7  }
0x56: {  	[tilespmem:v2+s10+$0x0] =	vst.idx.add.f32.msk $0xffff, v1  }
0x57: {  	v2 =	vld [tilespmem:s15+$0xFFFFFF60];
	_ =	sdelay $0x7  }
0x58: {  	[tilespmem:v2+s10+$0x0] =	vst.idx.add.f32.msk $0xffff, v1  }
0x59: {  	v2 =	vld [tilespmem:s15+$0xFFFFFF70];
	_ =	sdelay $0x7  }
0x5a: {  	[tilespmem:v2+s10+$0x0] =	vst.idx.add.f32.msk $0xffff, v1  }
0x5b: {  	v2 =	vld [tilespmem:s15+$0x0];
	_ =	sdelay $0x7  }
0x5c: {  	[tilespmem:v2+s10+$0x0] =	vst.idx.add.f32.msk $0xffff, v1  }
0x5d: {  	v2 =	vld [tilespmem:s15+$0x10];
	_ =	sdelay $0x7  }
0x5e: {  	[tilespmem:v2+s10+$0x0] =	vst.idx.add.f32.msk $0xffff, v1  }
0x5f: {  	v2 =	vld [tilespmem:s15+$0x20];
	_ =	sdelay $0x7  }
0x60: {  	[tilespmem:v2+s10+$0x0] =	vst.idx.add.f32.msk $0xffff, v1  }
0x61: {  	v2 =	vld [tilespmem:s15+$0x30];
	_ =	sdelay $0x7  }
0x62: {  	[tilespmem:v2+s10+$0x0] =	vst.idx.add.f32.msk $0xffff, v1  }
0x63: {  	v2 =	vld [tilespmem:s15+$0x40];
	_ =	sdelay $0x7  }
0x64: {  	[tilespmem:v2+s10+$0x0] =	vst.idx.add.f32.msk $0xffff, v1  }
0x65: {  	v2 =	vld [tilespmem:s15+$0x50];
	_ =	sdelay $0x7  }
0x66: {  	[tilespmem:v2+s10+$0x0] =	vst.idx.add.f32.msk $0xffff, v1  }
0x67: {  	v2 =	vld [tilespmem:s15+$0x60];
	_ =	sdelay $0x7  }
0x68: {  	[tilespmem:v2+s10+$0x0] =	vst.idx.add.f32.msk $0xffff, v1  }
0x69: {  	v2 =	vld [tilespmem:s15+$0x70];
	_ =	sdelay $0x2  }
0x6a: {  	p0 =	sne.s32 s16, $0x800  }
.Ltmp1:
0x6b: {  	_ = 	snop;
	(pc) =	sbr.rel @p0 .LBB2_4-.Ltmp1, $2  }
0x6c: {  	_ =	sdelay $0x2  }
0x6d: {  	s16 =	sadd.s32 $0xFFFFF800, s16;
	s15 =	sadd.s32 $0x200, s15;
	[tilespmem:v2+s10+$0x0] =	vst.idx.add.f32.msk $0xffff, v1  }
0x6e: {  	v2 =	vld [tilespmem:s4+$0xFFFFFF80];
	_ =	sdelay $0x7  }
0x6f: {  	[tilespmem:v2+s10+$0x0] =	vst.idx.add.f32.msk $0xffff, v1  }
0x70: {  	v2 =	vld [tilespmem:s4+$0xFFFFFF90];
	_ =	sdelay $0x7  }
0x71: {  	[tilespmem:v2+s10+$0x0] =	vst.idx.add.f32.msk $0xffff, v1  }
0x72: {  	v2 =	vld [tilespmem:s4+$0xFFFFFFA0];
	_ =	sdelay $0x7  }
0x73: {  	[tilespmem:v2+s10+$0x0] =	vst.idx.add.f32.msk $0xffff, v1  }
0x74: {  	v2 =	vld [tilespmem:s4+$0xFFFFFFB0];
	_ =	sdelay $0x7  }
0x75: {  	[tilespmem:v2+s10+$0x0] =	vst.idx.add.f32.msk $0xffff, v1  }
0x76: {  	v2 =	vld [tilespmem:s4+$0xFFFFFFC0];
	_ =	sdelay $0x7  }
0x77: {  	[tilespmem:v2+s10+$0x0] =	vst.idx.add.f32.msk $0xffff, v1  }
0x78: {  	v2 =	vld [tilespmem:s4+$0xFFFFFFD0];
	_ =	sdelay $0x7  }
0x79: {  	[tilespmem:v2+s10+$0x0] =	vst.idx.add.f32.msk $0xffff, v1  }
0x7a: {  	v2 =	vld [tilespmem:s4+$0xFFFFFFE0];
	_ =	sdelay $0x7  }
0x7b: {  	[tilespmem:v2+s10+$0x0] =	vst.idx.add.f32.msk $0xffff, v1  }
0x7c: {  	v2 =	vld [tilespmem:s4+$0xFFFFFFF0];
	_ =	sdelay $0x5  }
0x7d: {  	s14 =	sadd.s32 $0x1, s14  }
0x7e: {  	p0 =	sne.s32 s14, s6  }
.Ltmp2:
0x7f: {  	[tilespmem:v2+s10+$0x0] =	vst.idx.add.f32.msk $0xffff, v1;
	(pc) =	sbr.rel @p0 .LBB2_1-.Ltmp2, $4  }
0x80: {  	[hbm4b:s5+s11] =	stream.strided.scatter [tilespmem:s10], [sflag:$0x2], $0x2780, s12, s11, $0x38;
	[tilespmem:$0x7680] =	vst v63  }
0x81: {  	_ =	swait.ge [sflag:s13], $0x2780  }
0x82: {  	[sflag:s13] =	ssyncset.done $0x0  }
0x83: {  	[sflag:s13] =	ssyncadd.s32 $0xFFFFD880  }
0x84: {  	_ =	sfence.sel $0x180000  }
0x85: {  	[bflag:$0x0] =	sbarrier.arrive $0xFFFF  }
0x86: {  	p0 =	sne.s32 s0, $0x0;
	_ =	strace $0x90000047  }
0x87: {  	s0 =	sadd.s32 @!p0 $0x100000, s1;
	[bflag:$0x2] =	sbarrier.arrive $0xFFFF  }
0x88: {  	[sflag:s0] =	ssyncadd.tile.s32 @!p0 $0x1;
	_ =	shalt  }
.Lfunc_end2:
_tile_overlayer_lowered:
.L_overlay_start_2:
0x89: {  	(tag) =	ssettag $0x2  }
0x8a: {  	s0 =	rddreg [dreg:$0x0];
	s2 =	stileid.u32  }
0x8b: {  	s1 =	rddreg [dreg:$0x1];
	p0 =	sne.s32 s2, $0x0  }
0x8c: {  	s3 =	rddreg [dreg:$0x2];
	[bflag:$0x3] =	sbarrier.arrive $0xFFFF;
	s2 =	simm.s32 @!p0 $0x1C02  }
0x8d: {  	[timem:s3], [sflag:s2] =	dma.local @!p0 [hbm:s0], s1  }
0x8e: {  	s0 =	simm.s32 @!p0 $0x2  }
0x8f: {  	_ =	swait.ge @!p0 [sflag:s0], s1  }
0x90: {  	s1 =	ssub.s32 @!p0 $0x0, s1;
	[sflag:s0] =	ssyncset.done @!p0 $0x0  }
0x91: {  	[sflag:s0] =	ssyncadd.s32 @!p0 s1  }
0x92: {  	[bflag:$0x3] =	sbarrier.arrive $0xFFFF  }
0x93: {  	_ =	shalt  }

</sc_bundles>
